<compile_context>
chip_gen: v7x
topology: tpu7x:2x2x1
jax: 0.10.2.dev20260603
libtpu: 0.0.44.dev20260713+nightly
codegen_flags: <defaults>
</compile_context>

<pallas_src>
import jax
import jax.numpy as jnp
from jax import lax
from jax.experimental import pallas as pl
from jax.experimental.pallas import tpu as pltpu, tpu_sc as plsc

EPS = 1e-6
NC = 2
NS = 16
L = 16

B = 16
A = 65536
T = 32768
BPC = B // NC
TPW = T // 2
C = 1024
NCHUNK = TPW // C
OW = 12


def _rsqrt(x):
    i = plsc.bitcast(x, jnp.int32)
    y = plsc.bitcast(jnp.int32(0x5F3759DF) - (i >> 1), jnp.float32)
    xh = x * 0.5
    y = y * (1.5 - xh * y * y)
    y = y * (1.5 - xh * y * y)
    y = y * (1.5 - xh * y * y)
    return y


def _sqrt(x):
    return x * _rsqrt(x + 1e-35)


def _body(xs_hbm, ys_hbm, zs_hbm, tri_hbm, out_hbm,
          shx, shy, shz, iv, pv, ob, sem):
    c = lax.axis_index("c")
    s = lax.axis_index("s")
    b = c * BPC + s // 2
    half = s % 2

    rpt = BPC * A // NS
    src0 = c * BPC * A + s * rpt
    dst0 = s * rpt
    pltpu.sync_copy(xs_hbm.at[pl.ds(src0, rpt)], shx.at[pl.ds(dst0, rpt)])
    pltpu.sync_copy(ys_hbm.at[pl.ds(src0, rpt)], shy.at[pl.ds(dst0, rpt)])
    pltpu.sync_copy(zs_hbm.at[pl.ds(src0, rpt)], shz.at[pl.ds(dst0, rpt)])
    plsc.subcore_barrier()

    iota = lax.iota(jnp.int32, L)
    oidx0 = iota * OW

    def chunk_body(i, carry):
        start = half * TPW + i * C
        pltpu.sync_copy(
            tri_hbm.at[b, pl.ds((half * NCHUNK + i) * 3 * C, 3 * C)], iv)
        copies = []
        for k in range(3):
            for comp, plane in enumerate((shx, shy, shz)):
                r = 3 * k + comp
                copies.append(pltpu.async_copy(
                    plane.at[iv.at[pl.ds(k * C, C)]],
                    pv.at[pl.ds(r * C, C)], sem))
        for d in copies:
            d.wait()

        def group_body(g, carry2):
            base = g * L

            def ld(r):
                return pv[pl.ds(r * C + base, L)]

            p0x, p0y, p0z = ld(0), ld(1), ld(2)
            p1x, p1y, p1z = ld(3), ld(4), ld(5)
            p2x, p2y, p2z = ld(6), ld(7), ld(8)

            d10x, d10y, d10z = p1x - p0x, p1y - p0y, p1z - p0z
            d20x, d20y, d20z = p2x - p0x, p2y - p0y, p2z - p0z

            s10 = d10x * d10x + d10y * d10y + d10z * d10z
            inv10 = 1.0 / (_sqrt(s10) + EPS)
            zx = d10x * inv10
            zy = d10y * inv10
            zz = (d10z + EPS) * inv10

            yrx = zy * d20z - zz * d20y
            yry = zz * d20x - zx * d20z
            yrz = zx * d20y - zy * d20x
            sy = yrx * yrx + yry * yry + yrz * yrz
            invy = 1.0 / (_sqrt(sy) + EPS)
            yx = yrx * invy
            yy = (yry + EPS) * invy
            yz = yrz * invy

            xrx = yy * zz - yz * zy
            xry = yz * zx - yx * zz
            xrz = yx * zy - yy * zx
            sx = xrx * xrx + xry * xry + xrz * xrz
            invx = 1.0 / (_sqrt(sx) + EPS)
            xx = (xrx + EPS) * invx
            xy = xry * invx
            xz = xrz * invx

            oi = oidx0 + base * OW
            comps = (p0x, p0y, p0z, xx, xy, xz, yx, yy, yz, zx, zy, zz)
            for ci, v in enumerate(comps):
                plsc.store_scatter(ob, [oi + ci], v)
            return carry2

        lax.fori_loop(0, C // L, group_body, 0)
        pltpu.sync_copy(ob, out_hbm.at[b, pl.ds(start * OW, C * OW)])
        return carry

    lax.fori_loop(0, NCHUNK, chunk_body, 0)


@jax.jit
def _frames(xs, ys, zs, tri_adj):
    mesh = plsc.VectorSubcoreMesh(
        core_axis_name="c", subcore_axis_name="s",
        num_cores=NC, num_subcores=NS)
    return pl.kernel(
        _body,
        out_type=jax.ShapeDtypeStruct((B, T * OW), jnp.float32),
        mesh=mesh,
        compiler_params=pltpu.CompilerParams(needs_layout_passes=False),
        scratch_types=[
            pltpu.VMEM_SHARED((BPC * A,), jnp.float32),
            pltpu.VMEM_SHARED((BPC * A,), jnp.float32),
            pltpu.VMEM_SHARED((BPC * A,), jnp.float32),
            pltpu.VMEM((3 * C,), jnp.int32),
            pltpu.VMEM((9 * C,), jnp.float32),
            pltpu.VMEM((C * OW,), jnp.float32),
            pltpu.SemaphoreType.DMA,
        ],
    )(xs, ys, zs, tri_adj)


def kernel(points, triplets):
    n_atoms = points.shape[-2]
    tri = jnp.clip(triplets, 0, n_atoms - 1).astype(jnp.int32)
    tri = tri.transpose(0, 2, 1)
    slot = (jnp.arange(B, dtype=jnp.int32) % BPC) * A
    tri = tri + slot[:, None, None]
    tri = tri.reshape(B, 3, 2 * NCHUNK, C).transpose(0, 2, 1, 3).reshape(B, 3 * T)
    planes = points.transpose(2, 0, 1).reshape(3, B * A)
    out = _frames(planes[0], planes[1], planes[2], tri)
    return out.reshape(B, T, 4, 3)

# --- scband reference (transcript-rebuilt; emitter-appended) ---
"""Pipeline reference for scband-frame-builder-2456721293909 (READ-ONLY COPY).

The authoritative reference and input builder live on the scoring server;
editing this copy changes nothing except your own understanding.
"""

import jax, jax.numpy as jnp
import numpy as np

EPS = 1e-6


def _gather(points, idx):
    # points: (B, A, 3), idx: (B, T) -> (B, T, 3)
    return jax.vmap(lambda p, i: jnp.take(p, i, axis=0))(points, idx)


def setup_inputs(seed: int = 0) -> dict:
    key = jax.random.key(seed)
    k1, k2 = jax.random.split(key)
    points = jax.random.normal(k1, (16, 65536, 3), dtype=jnp.float32)
    triplets = jax.random.randint(k2, (16, 32768, 3), 0, 65536, dtype=jnp.int32)
    return {"points": points, "triplets": triplets}


def reference(points, triplets):
    n_atoms = points.shape[-2]
    triplets = jnp.clip(triplets, 0, n_atoms - 1)
    p0 = _gather(points, triplets[:, :, 0])
    p1 = _gather(points, triplets[:, :, 1])
    p2 = _gather(points, triplets[:, :, 2])
    delta_10 = p1 - p0
    delta_20 = p2 - p0
    centers = p0
    xbase = jnp.array([[[1.0, 0.0, 0.0]]], dtype=jnp.float32)
    ybase = jnp.array([[[0.0, 1.0, 0.0]]], dtype=jnp.float32)
    zbase = jnp.array([[[0.0, 0.0, 1.0]]], dtype=jnp.float32)
    zaxis = (delta_10 + EPS * zbase) / (
        jnp.sqrt(jnp.sum(delta_10 ** 2, axis=-1, keepdims=True)) + EPS)
    yaxis = jnp.cross(zaxis, delta_20)
    yaxis = (yaxis + EPS * ybase) / (
        jnp.sqrt(jnp.sum(yaxis ** 2, axis=-1, keepdims=True)) + EPS)
    xaxis = jnp.cross(yaxis, zaxis)
    xaxis = (xaxis + EPS * xbase) / (
        jnp.sqrt(jnp.sum(xaxis ** 2, axis=-1, keepdims=True)) + EPS)
    frames = jnp.stack([centers, xaxis, yaxis, zaxis], axis=-2)
    return frames

if __name__ == "__main__":
    import jax
    _d = setup_inputs()
    print(jax.jit(kernel)(*tuple(_d.values())))

</pallas_src>

<mosaic_0001>
#map = affine_map<(d0, d1) -> (0)>
#map1 = affine_map<(d0, d1) -> (0, 0)>
module attributes {stable_mosaic.version = 14 : i64} {
  func.func @_body(%arg0: i32, %arg1: i32, %arg2: memref<1048576xf32, #tpu.memory_space<hbm>>, %arg3: memref<1048576xf32, #tpu.memory_space<hbm>>, %arg4: memref<1048576xf32, #tpu.memory_space<hbm>>, %arg5: memref<16x98304xi32, #tpu.memory_space<hbm>>, %arg6: memref<16x393216xf32, #tpu.memory_space<hbm>>, %arg7: memref<524288xf32, #tpu.memory_space<vmem_shared>>, %arg8: memref<524288xf32, #tpu.memory_space<vmem_shared>>, %arg9: memref<524288xf32, #tpu.memory_space<vmem_shared>>, %arg10: memref<3072xi32, #tpu.memory_space<vmem>>, %arg11: memref<9216xf32, #tpu.memory_space<vmem>>, %arg12: memref<12288xf32, #tpu.memory_space<vmem>>, %arg13: memref<!tpu.dma_semaphore, #tpu.memory_space<semaphore_mem>>) attributes {dimension_semantics = [#tpu.dimension_semantics<core_parallel>, #tpu.dimension_semantics<subcore_parallel>], iteration_bounds = array<i64: 2, 16>, scalar_prefetch = 0 : i64, scratch_operands = 7 : i64, tpu.core_type = #tpu.core_type<sc_vector_subcore>, window_params = [{transform_indices = #map}, {transform_indices = #map}, {transform_indices = #map}, {transform_indices = #map1}, {transform_indices = #map1}]} {
    %mul3A = arith.constant 8 : i32
    %mul3A_0 = arith.muli %arg0, %mul3A : i32
    %jit3A = arith.constant 2 : i32
    %div3A = arith.divsi %arg1, %jit3A : i32
    %sign3A = arith.constant 0 : i32
    %sign3A_1 = arith.cmpi sgt, %arg1, %sign3A : i32
    %sign3A_2 = arith.extui %sign3A_1 : i1 to i32
    %sign3A_3 = arith.constant 0 : i32
    %sign3A_4 = arith.cmpi slt, %arg1, %sign3A_3 : i32
    %sign3A_5 = arith.extui %sign3A_4 : i1 to i32
    %sign3A_6 = arith.subi %sign3A_2, %sign3A_5 : i32
    %sign3A_7 = arith.constant 0 : i32
    %sign3A_8 = arith.cmpi sgt, %jit3A, %sign3A_7 : i32
    %sign3A_9 = arith.extui %sign3A_8 : i1 to i32
    %sign3A_10 = arith.constant 0 : i32
    %sign3A_11 = arith.cmpi slt, %jit3A, %sign3A_10 : i32
    %sign3A_12 = arith.extui %sign3A_11 : i1 to i32
    %sign3A_13 = arith.subi %sign3A_9, %sign3A_12 : i32
    %ne3A = arith.cmpi ne, %sign3A_6, %sign3A_13 : i32
    %rem3A = arith.remsi %arg1, %jit3A : i32
    %ne3A_14 = arith.constant 0 : i32
    %ne3A_15 = arith.cmpi ne, %rem3A, %ne3A_14 : i32
    %and3A = arith.andi %ne3A, %ne3A_15 : i1
    %sub3A = arith.constant 1 : i32
    %sub3A_16 = arith.subi %div3A, %sub3A : i32
    %select_n3A = arith.select %and3A, %sub3A_16, %div3A : i32
    %add3A = arith.addi %mul3A_0, %select_n3A : i32
    %jit3A_17 = arith.constant 2 : i32
    %eq3A = arith.constant 0 : i32
    %eq3A_18 = arith.cmpi eq, %jit3A_17, %eq3A : i32
    %jit3A_19 = arith.constant 1 : i32
    %select_n3A_20 = arith.select %eq3A_18, %jit3A_19, %jit3A_17 : i32
    %rem3A_21 = arith.remsi %arg1, %select_n3A_20 : i32
    %ne3A_22 = arith.constant 0 : i32
    %ne3A_23 = arith.cmpi ne, %rem3A_21, %ne3A_22 : i32
    %lt3A = arith.constant 0 : i32
    %lt3A_24 = arith.cmpi slt, %rem3A_21, %lt3A : i32
    %lt3A_25 = arith.constant 0 : i32
    %lt3A_26 = arith.cmpi slt, %select_n3A_20, %lt3A_25 : i32
    %ne3A_27 = arith.xori %lt3A_24, %lt3A_26 : i1
    %and3A_28 = arith.andi %ne3A_27, %ne3A_23 : i1
    %add3A_29 = arith.addi %rem3A_21, %select_n3A_20 : i32
    %select_n3A_30 = arith.select %and3A_28, %add3A_29, %rem3A_21 : i32
    %mul3A_31 = arith.constant 8 : i32
    %mul3A_32 = arith.muli %arg0, %mul3A_31 : i32
    %mul3A_33 = arith.constant 65536 : i32
    %mul3A_34 = arith.muli %mul3A_32, %mul3A_33 : i32
    %mul3A_35 = arith.constant 32768 : i32
    %mul3A_36 = arith.muli %arg1, %mul3A_35 : i32
    %add3A_37 = arith.addi %mul3A_34, %mul3A_36 : i32
    %mul3A_38 = arith.constant 32768 : i32
    %mul3A_39 = arith.muli %arg1, %mul3A_38 : i32
    "tpu.region"() ({
      %run_scoped3A = tpu.sem_alloc : memref<!tpu.dma_semaphore, #tpu.memory_space<semaphore_mem>>
      %dma_start3A = tpu.memref_slice %arg7[%mul3A_39] : memref<524288xf32, #tpu.memory_space<vmem_shared>> -> memref<32768xf32, #tpu.memory_space<vmem_shared>>
      %dma_start3A_48 = tpu.memref_slice %arg2[%add3A_37] : memref<1048576xf32, #tpu.memory_space<hbm>> -> memref<32768xf32, #tpu.memory_space<hbm>>
      tpu.enqueue_dma source(%dma_start3A_48 : memref<32768xf32, #tpu.memory_space<hbm>>) target(%dma_start3A : memref<32768xf32, #tpu.memory_space<vmem_shared>>) target_semaphore(%run_scoped3A : memref<!tpu.dma_semaphore, #tpu.memory_space<semaphore_mem>>)
      %dma_wait3A = tpu.memref_slice %arg7[%mul3A_39] : memref<524288xf32, #tpu.memory_space<vmem_shared>> -> memref<32768xf32, #tpu.memory_space<vmem_shared>>
      %dma_wait3A_49 = tpu.memref_slice %arg2[%add3A_37] : memref<1048576xf32, #tpu.memory_space<hbm>> -> memref<32768xf32, #tpu.memory_space<hbm>>
      tpu.wait_dma2 semaphore(%run_scoped3A : memref<!tpu.dma_semaphore, #tpu.memory_space<semaphore_mem>>) src(%dma_wait3A_49 : memref<32768xf32, #tpu.memory_space<hbm>>) dst(%dma_wait3A : memref<32768xf32, #tpu.memory_space<vmem_shared>>)
      tpu.yield
    }) : () -> ()
    "tpu.region"() ({
      %run_scoped3A = tpu.sem_alloc : memref<!tpu.dma_semaphore, #tpu.memory_space<semaphore_mem>>
      %dma_start3A = tpu.memref_slice %arg8[%mul3A_39] : memref<524288xf32, #tpu.memory_space<vmem_shared>> -> memref<32768xf32, #tpu.memory_space<vmem_shared>>
      %dma_start3A_48 = tpu.memref_slice %arg3[%add3A_37] : memref<1048576xf32, #tpu.memory_space<hbm>> -> memref<32768xf32, #tpu.memory_space<hbm>>
      tpu.enqueue_dma source(%dma_start3A_48 : memref<32768xf32, #tpu.memory_space<hbm>>) target(%dma_start3A : memref<32768xf32, #tpu.memory_space<vmem_shared>>) target_semaphore(%run_scoped3A : memref<!tpu.dma_semaphore, #tpu.memory_space<semaphore_mem>>)
      %dma_wait3A = tpu.memref_slice %arg8[%mul3A_39] : memref<524288xf32, #tpu.memory_space<vmem_shared>> -> memref<32768xf32, #tpu.memory_space<vmem_shared>>
      %dma_wait3A_49 = tpu.memref_slice %arg3[%add3A_37] : memref<1048576xf32, #tpu.memory_space<hbm>> -> memref<32768xf32, #tpu.memory_space<hbm>>
      tpu.wait_dma2 semaphore(%run_scoped3A : memref<!tpu.dma_semaphore, #tpu.memory_space<semaphore_mem>>) src(%dma_wait3A_49 : memref<32768xf32, #tpu.memory_space<hbm>>) dst(%dma_wait3A : memref<32768xf32, #tpu.memory_space<vmem_shared>>)
      tpu.yield
    }) : () -> ()
    "tpu.region"() ({
      %run_scoped3A = tpu.sem_alloc : memref<!tpu.dma_semaphore, #tpu.memory_space<semaphore_mem>>
      %dma_start3A = tpu.memref_slice %arg9[%mul3A_39] : memref<524288xf32, #tpu.memory_space<vmem_shared>> -> memref<32768xf32, #tpu.memory_space<vmem_shared>>
      %dma_start3A_48 = tpu.memref_slice %arg4[%add3A_37] : memref<1048576xf32, #tpu.memory_space<hbm>> -> memref<32768xf32, #tpu.memory_space<hbm>>
      tpu.enqueue_dma source(%dma_start3A_48 : memref<32768xf32, #tpu.memory_space<hbm>>) target(%dma_start3A : memref<32768xf32, #tpu.memory_space<vmem_shared>>) target_semaphore(%run_scoped3A : memref<!tpu.dma_semaphore, #tpu.memory_space<semaphore_mem>>)
      %dma_wait3A = tpu.memref_slice %arg9[%mul3A_39] : memref<524288xf32, #tpu.memory_space<vmem_shared>> -> memref<32768xf32, #tpu.memory_space<vmem_shared>>
      %dma_wait3A_49 = tpu.memref_slice %arg4[%add3A_37] : memref<1048576xf32, #tpu.memory_space<hbm>> -> memref<32768xf32, #tpu.memory_space<hbm>>
      tpu.wait_dma2 semaphore(%run_scoped3A : memref<!tpu.dma_semaphore, #tpu.memory_space<semaphore_mem>>) src(%dma_wait3A_49 : memref<32768xf32, #tpu.memory_space<hbm>>) dst(%dma_wait3A : memref<32768xf32, #tpu.memory_space<vmem_shared>>)
      tpu.yield
    }) : () -> ()
    %barrier3A = arith.constant 0 : index
    tpu.barrier barrier_id(%barrier3A)
    %iota3A = tpu.iota {dimensions = array<i32: 0>} : vector<16xi32>
    %mul3A_40 = arith.constant 12 : i32
    %mul3A_41 = vector.broadcast %mul3A_40 : i32 to vector<16xi32>
    %mul3A_42 = arith.muli %iota3A, %mul3A_41 : vector<16xi32>
    %scan3A = arith.constant 0 : i32
    %scan3A_43 = arith.constant 0 : i32
    %scan3A_44 = arith.constant 16 : i32
    %scan3A_45 = arith.addi %scan3A_43, %scan3A_44 : i32
    %scan3A_46 = arith.constant 1 : i32
    scf.for %scan3A_48 = %scan3A_43 to %scan3A_45 step %scan3A_46  : i32 {
      %mul3A_49 = arith.constant 16384 : i32
      %mul3A_50 = arith.muli %select_n3A_30, %mul3A_49 : i32
      %mul3A_51 = arith.constant 1024 : i32
      %mul3A_52 = arith.muli %scan3A_48, %mul3A_51 : i32
      %add3A_53 = arith.addi %mul3A_50, %mul3A_52 : i32
      %mul3A_54 = arith.constant 16 : i32
      %mul3A_55 = arith.muli %select_n3A_30, %mul3A_54 : i32
      %add3A_56 = arith.addi %mul3A_55, %scan3A_48 : i32
      %mul3A_57 = arith.constant 3 : i32
      %mul3A_58 = arith.muli %add3A_56, %mul3A_57 : i32
      %mul3A_59 = arith.constant 1024 : i32
      %mul3A_60 = arith.muli %mul3A_58, %mul3A_59 : i32
      "tpu.region"() ({
        %run_scoped3A = tpu.sem_alloc : memref<!tpu.dma_semaphore, #tpu.memory_space<semaphore_mem>>
        %dma_start3A_175 = tpu.memref_slice %arg5[%add3A, %mul3A_60] : memref<16x98304xi32, #tpu.memory_space<hbm>> -> memref<1x3072xi32, #tpu.memory_space<hbm>>
        %dma_start3A_176 = tpu.memref_squeeze %dma_start3A_175 : memref<1x3072xi32, #tpu.memory_space<hbm>> -> memref<3072xi32, #tpu.memory_space<hbm>>
        %dma_start3A_177 = tpu.memref_slice %arg5[%add3A, %mul3A_60] : memref<16x98304xi32, #tpu.memory_space<hbm>> -> memref<1x3072xi32, #tpu.memory_space<hbm>>
        %dma_start3A_178 = tpu.memref_squeeze %dma_start3A_177 : memref<1x3072xi32, #tpu.memory_space<hbm>> -> memref<3072xi32, #tpu.memory_space<hbm>>
        tpu.enqueue_dma source(%dma_start3A_178 : memref<3072xi32, #tpu.memory_space<hbm>>) target(%arg10 : memref<3072xi32, #tpu.memory_space<vmem>>) target_semaphore(%run_scoped3A : memref<!tpu.dma_semaphore, #tpu.memory_space<semaphore_mem>>)
        %dma_wait3A_179 = tpu.memref_slice %arg5[%add3A, %mul3A_60] : memref<16x98304xi32, #tpu.memory_space<hbm>> -> memref<1x3072xi32, #tpu.memory_space<hbm>>
        %dma_wait3A_180 = tpu.memref_squeeze %dma_wait3A_179 : memref<1x3072xi32, #tpu.memory_space<hbm>> -> memref<3072xi32, #tpu.memory_space<hbm>>
        %dma_wait3A_181 = tpu.memref_slice %arg5[%add3A, %mul3A_60] : memref<16x98304xi32, #tpu.memory_space<hbm>> -> memref<1x3072xi32, #tpu.memory_space<hbm>>
        %dma_wait3A_182 = tpu.memref_squeeze %dma_wait3A_181 : memref<1x3072xi32, #tpu.memory_space<hbm>> -> memref<3072xi32, #tpu.memory_space<hbm>>
        tpu.wait_dma2 semaphore(%run_scoped3A : memref<!tpu.dma_semaphore, #tpu.memory_space<semaphore_mem>>) src(%dma_wait3A_182 : memref<3072xi32, #tpu.memory_space<hbm>>) dst(%arg10 : memref<3072xi32, #tpu.memory_space<vmem>>)
        tpu.yield
      }) : () -> ()
      %dma_start3A = arith.constant 0 : i32
      %dma_start3A_61 = tpu.memref_slice %arg11[%dma_start3A] : memref<9216xf32, #tpu.memory_space<vmem>> -> memref<1024xf32, #tpu.memory_space<vmem>>
      %dma_start3A_62 = arith.constant 0 : i32
      %dma_start3A_63 = tpu.memref_slice %arg10[%dma_start3A_62] : memref<3072xi32, #tpu.memory_space<vmem>> -> memref<1024xi32, #tpu.memory_space<vmem>>
      %dma_start3A_64 = arith.constant 0 : i32
      %dma_start3A_65 = tpu.memref_slice %arg7[%dma_start3A_64] : memref<524288xf32, #tpu.memory_space<vmem_shared>> -> memref<524288xf32, #tpu.memory_space<vmem_shared>>
      tpu.enqueue_indirect_dma source(%dma_start3A_65 : memref<524288xf32, #tpu.memory_space<vmem_shared>>) target(%dma_start3A_61 : memref<1024xf32, #tpu.memory_space<vmem>>) offsets(%dma_start3A_63 : memref<1024xi32, #tpu.memory_space<vmem>>) semaphore(%arg13 : memref<!tpu.dma_semaphore, #tpu.memory_space<semaphore_mem>>)
      %dma_start3A_66 = arith.constant 1024 : i32
      %dma_start3A_67 = tpu.memref_slice %arg11[%dma_start3A_66] : memref<9216xf32, #tpu.memory_space<vmem>> -> memref<1024xf32, #tpu.memory_space<vmem>>
      %dma_start3A_68 = arith.constant 0 : i32
      %dma_start3A_69 = tpu.memref_slice %arg10[%dma_start3A_68] : memref<3072xi32, #tpu.memory_space<vmem>> -> memref<1024xi32, #tpu.memory_space<vmem>>
      %dma_start3A_70 = arith.constant 0 : i32
      %dma_start3A_71 = tpu.memref_slice %arg8[%dma_start3A_70] : memref<524288xf32, #tpu.memory_space<vmem_shared>> -> memref<524288xf32, #tpu.memory_space<vmem_shared>>
      tpu.enqueue_indirect_dma source(%dma_start3A_71 : memref<524288xf32, #tpu.memory_space<vmem_shared>>) target(%dma_start3A_67 : memref<1024xf32, #tpu.memory_space<vmem>>) offsets(%dma_start3A_69 : memref<1024xi32, #tpu.memory_space<vmem>>) semaphore(%arg13 : memref<!tpu.dma_semaphore, #tpu.memory_space<semaphore_mem>>)
      %dma_start3A_72 = arith.constant 2048 : i32
      %dma_start3A_73 = tpu.memref_slice %arg11[%dma_start3A_72] : memref<9216xf32, #tpu.memory_space<vmem>> -> memref<1024xf32, #tpu.memory_space<vmem>>
      %dma_start3A_74 = arith.constant 0 : i32
      %dma_start3A_75 = tpu.memref_slice %arg10[%dma_start3A_74] : memref<3072xi32, #tpu.memory_space<vmem>> -> memref<1024xi32, #tpu.memory_space<vmem>>
      %dma_start3A_76 = arith.constant 0 : i32
      %dma_start3A_77 = tpu.memref_slice %arg9[%dma_start3A_76] : memref<524288xf32, #tpu.memory_space<vmem_shared>> -> memref<524288xf32, #tpu.memory_space<vmem_shared>>
      tpu.enqueue_indirect_dma source(%dma_start3A_77 : memref<524288xf32, #tpu.memory_space<vmem_shared>>) target(%dma_start3A_73 : memref<1024xf32, #tpu.memory_space<vmem>>) offsets(%dma_start3A_75 : memref<1024xi32, #tpu.memory_space<vmem>>) semaphore(%arg13 : memref<!tpu.dma_semaphore, #tpu.memory_space<semaphore_mem>>)
      %dma_start3A_78 = arith.constant 3072 : i32
      %dma_start3A_79 = tpu.memref_slice %arg11[%dma_start3A_78] : memref<9216xf32, #tpu.memory_space<vmem>> -> memref<1024xf32, #tpu.memory_space<vmem>>
      %dma_start3A_80 = arith.constant 1024 : i32
      %dma_start3A_81 = tpu.memref_slice %arg10[%dma_start3A_80] : memref<3072xi32, #tpu.memory_space<vmem>> -> memref<1024xi32, #tpu.memory_space<vmem>>
      %dma_start3A_82 = arith.constant 0 : i32
      %dma_start3A_83 = tpu.memref_slice %arg7[%dma_start3A_82] : memref<524288xf32, #tpu.memory_space<vmem_shared>> -> memref<524288xf32, #tpu.memory_space<vmem_shared>>
      tpu.enqueue_indirect_dma source(%dma_start3A_83 : memref<524288xf32, #tpu.memory_space<vmem_shared>>) target(%dma_start3A_79 : memref<1024xf32, #tpu.memory_space<vmem>>) offsets(%dma_start3A_81 : memref<1024xi32, #tpu.memory_space<vmem>>) semaphore(%arg13 : memref<!tpu.dma_semaphore, #tpu.memory_space<semaphore_mem>>)
      %dma_start3A_84 = arith.constant 4096 : i32
      %dma_start3A_85 = tpu.memref_slice %arg11[%dma_start3A_84] : memref<9216xf32, #tpu.memory_space<vmem>> -> memref<1024xf32, #tpu.memory_space<vmem>>
      %dma_start3A_86 = arith.constant 1024 : i32
      %dma_start3A_87 = tpu.memref_slice %arg10[%dma_start3A_86] : memref<3072xi32, #tpu.memory_space<vmem>> -> memref<1024xi32, #tpu.memory_space<vmem>>
      %dma_start3A_88 = arith.constant 0 : i32
      %dma_start3A_89 = tpu.memref_slice %arg8[%dma_start3A_88] : memref<524288xf32, #tpu.memory_space<vmem_shared>> -> memref<524288xf32, #tpu.memory_space<vmem_shared>>
      tpu.enqueue_indirect_dma source(%dma_start3A_89 : memref<524288xf32, #tpu.memory_space<vmem_shared>>) target(%dma_start3A_85 : memref<1024xf32, #tpu.memory_space<vmem>>) offsets(%dma_start3A_87 : memref<1024xi32, #tpu.memory_space<vmem>>) semaphore(%arg13 : memref<!tpu.dma_semaphore, #tpu.memory_space<semaphore_mem>>)
      %dma_start3A_90 = arith.constant 5120 : i32
      %dma_start3A_91 = tpu.memref_slice %arg11[%dma_start3A_90] : memref<9216xf32, #tpu.memory_space<vmem>> -> memref<1024xf32, #tpu.memory_space<vmem>>
      %dma_start3A_92 = arith.constant 1024 : i32
      %dma_start3A_93 = tpu.memref_slice %arg10[%dma_start3A_92] : memref<3072xi32, #tpu.memory_space<vmem>> -> memref<1024xi32, #tpu.memory_space<vmem>>
      %dma_start3A_94 = arith.constant 0 : i32
      %dma_start3A_95 = tpu.memref_slice %arg9[%dma_start3A_94] : memref<524288xf32, #tpu.memory_space<vmem_shared>> -> memref<524288xf32, #tpu.memory_space<vmem_shared>>
      tpu.enqueue_indirect_dma source(%dma_start3A_95 : memref<524288xf32, #tpu.memory_space<vmem_shared>>) target(%dma_start3A_91 : memref<1024xf32, #tpu.memory_space<vmem>>) offsets(%dma_start3A_93 : memref<1024xi32, #tpu.memory_space<vmem>>) semaphore(%arg13 : memref<!tpu.dma_semaphore, #tpu.memory_space<semaphore_mem>>)
      %dma_start3A_96 = arith.constant 6144 : i32
      %dma_start3A_97 = tpu.memref_slice %arg11[%dma_start3A_96] : memref<9216xf32, #tpu.memory_space<vmem>> -> memref<1024xf32, #tpu.memory_space<vmem>>
      %dma_start3A_98 = arith.constant 2048 : i32
      %dma_start3A_99 = tpu.memref_slice %arg10[%dma_start3A_98] : memref<3072xi32, #tpu.memory_space<vmem>> -> memref<1024xi32, #tpu.memory_space<vmem>>
      %dma_start3A_100 = arith.constant 0 : i32
      %dma_start3A_101 = tpu.memref_slice %arg7[%dma_start3A_100] : memref<524288xf32, #tpu.memory_space<vmem_shared>> -> memref<524288xf32, #tpu.memory_space<vmem_shared>>
      tpu.enqueue_indirect_dma source(%dma_start3A_101 : memref<524288xf32, #tpu.memory_space<vmem_shared>>) target(%dma_start3A_97 : memref<1024xf32, #tpu.memory_space<vmem>>) offsets(%dma_start3A_99 : memref<1024xi32, #tpu.memory_space<vmem>>) semaphore(%arg13 : memref<!tpu.dma_semaphore, #tpu.memory_space<semaphore_mem>>)
      %dma_start3A_102 = arith.constant 7168 : i32
      %dma_start3A_103 = tpu.memref_slice %arg11[%dma_start3A_102] : memref<9216xf32, #tpu.memory_space<vmem>> -> memref<1024xf32, #tpu.memory_space<vmem>>
      %dma_start3A_104 = arith.constant 2048 : i32
      %dma_start3A_105 = tpu.memref_slice %arg10[%dma_start3A_104] : memref<3072xi32, #tpu.memory_space<vmem>> -> memref<1024xi32, #tpu.memory_space<vmem>>
      %dma_start3A_106 = arith.constant 0 : i32
      %dma_start3A_107 = tpu.memref_slice %arg8[%dma_start3A_106] : memref<524288xf32, #tpu.memory_space<vmem_shared>> -> memref<524288xf32, #tpu.memory_space<vmem_shared>>
      tpu.enqueue_indirect_dma source(%dma_start3A_107 : memref<524288xf32, #tpu.memory_space<vmem_shared>>) target(%dma_start3A_103 : memref<1024xf32, #tpu.memory_space<vmem>>) offsets(%dma_start3A_105 : memref<1024xi32, #tpu.memory_space<vmem>>) semaphore(%arg13 : memref<!tpu.dma_semaphore, #tpu.memory_space<semaphore_mem>>)
      %dma_start3A_108 = arith.constant 8192 : i32
      %dma_start3A_109 = tpu.memref_slice %arg11[%dma_start3A_108] : memref<9216xf32, #tpu.memory_space<vmem>> -> memref<1024xf32, #tpu.memory_space<vmem>>
      %dma_start3A_110 = arith.constant 2048 : i32
      %dma_start3A_111 = tpu.memref_slice %arg10[%dma_start3A_110] : memref<3072xi32, #tpu.memory_space<vmem>> -> memref<1024xi32, #tpu.memory_space<vmem>>
      %dma_start3A_112 = arith.constant 0 : i32
      %dma_start3A_113 = tpu.memref_slice %arg9[%dma_start3A_112] : memref<524288xf32, #tpu.memory_space<vmem_shared>> -> memref<524288xf32, #tpu.memory_space<vmem_shared>>
      tpu.enqueue_indirect_dma source(%dma_start3A_113 : memref<524288xf32, #tpu.memory_space<vmem_shared>>) target(%dma_start3A_109 : memref<1024xf32, #tpu.memory_space<vmem>>) offsets(%dma_start3A_111 : memref<1024xi32, #tpu.memory_space<vmem>>) semaphore(%arg13 : memref<!tpu.dma_semaphore, #tpu.memory_space<semaphore_mem>>)
      %dma_wait3A = arith.constant 0 : i32
      %dma_wait3A_114 = tpu.memref_slice %arg11[%dma_wait3A] : memref<9216xf32, #tpu.memory_space<vmem>> -> memref<1024xf32, #tpu.memory_space<vmem>>
      %dma_wait3A_115 = arith.constant 0 : i32
      %dma_wait3A_116 = tpu.memref_slice %arg10[%dma_wait3A_115] : memref<3072xi32, #tpu.memory_space<vmem>> -> memref<1024xi32, #tpu.memory_space<vmem>>
      %dma_wait3A_117 = arith.constant 0 : i32
      %dma_wait3A_118 = tpu.memref_slice %arg7[%dma_wait3A_117] : memref<524288xf32, #tpu.memory_space<vmem_shared>> -> memref<524288xf32, #tpu.memory_space<vmem_shared>>
      tpu.wait_indirect_dma semaphore(%arg13 : memref<!tpu.dma_semaphore, #tpu.memory_space<semaphore_mem>>) src(%dma_wait3A_118 : memref<524288xf32, #tpu.memory_space<vmem_shared>>) dst(%dma_wait3A_114 : memref<1024xf32, #tpu.memory_space<vmem>>)
      %dma_wait3A_119 = arith.constant 1024 : i32
      %dma_wait3A_120 = tpu.memref_slice %arg11[%dma_wait3A_119] : memref<9216xf32, #tpu.memory_space<vmem>> -> memref<1024xf32, #tpu.memory_space<vmem>>
      %dma_wait3A_121 = arith.constant 0 : i32
      %dma_wait3A_122 = tpu.memref_slice %arg10[%dma_wait3A_121] : memref<3072xi32, #tpu.memory_space<vmem>> -> memref<1024xi32, #tpu.memory_space<vmem>>
      %dma_wait3A_123 = arith.constant 0 : i32
      %dma_wait3A_124 = tpu.memref_slice %arg8[%dma_wait3A_123] : memref<524288xf32, #tpu.memory_space<vmem_shared>> -> memref<524288xf32, #tpu.memory_space<vmem_shared>>
      tpu.wait_indirect_dma semaphore(%arg13 : memref<!tpu.dma_semaphore, #tpu.memory_space<semaphore_mem>>) src(%dma_wait3A_124 : memref<524288xf32, #tpu.memory_space<vmem_shared>>) dst(%dma_wait3A_120 : memref<1024xf32, #tpu.memory_space<vmem>>)
      %dma_wait3A_125 = arith.constant 2048 : i32
      %dma_wait3A_126 = tpu.memref_slice %arg11[%dma_wait3A_125] : memref<9216xf32, #tpu.memory_space<vmem>> -> memref<1024xf32, #tpu.memory_space<vmem>>
      %dma_wait3A_127 = arith.constant 0 : i32
      %dma_wait3A_128 = tpu.memref_slice %arg10[%dma_wait3A_127] : memref<3072xi32, #tpu.memory_space<vmem>> -> memref<1024xi32, #tpu.memory_space<vmem>>
      %dma_wait3A_129 = arith.constant 0 : i32
      %dma_wait3A_130 = tpu.memref_slice %arg9[%dma_wait3A_129] : memref<524288xf32, #tpu.memory_space<vmem_shared>> -> memref<524288xf32, #tpu.memory_space<vmem_shared>>
      tpu.wait_indirect_dma semaphore(%arg13 : memref<!tpu.dma_semaphore, #tpu.memory_space<semaphore_mem>>) src(%dma_wait3A_130 : memref<524288xf32, #tpu.memory_space<vmem_shared>>) dst(%dma_wait3A_126 : memref<1024xf32, #tpu.memory_space<vmem>>)
      %dma_wait3A_131 = arith.constant 3072 : i32
      %dma_wait3A_132 = tpu.memref_slice %arg11[%dma_wait3A_131] : memref<9216xf32, #tpu.memory_space<vmem>> -> memref<1024xf32, #tpu.memory_space<vmem>>
      %dma_wait3A_133 = arith.constant 1024 : i32
      %dma_wait3A_134 = tpu.memref_slice %arg10[%dma_wait3A_133] : memref<3072xi32, #tpu.memory_space<vmem>> -> memref<1024xi32, #tpu.memory_space<vmem>>
      %dma_wait3A_135 = arith.constant 0 : i32
      %dma_wait3A_136 = tpu.memref_slice %arg7[%dma_wait3A_135] : memref<524288xf32, #tpu.memory_space<vmem_shared>> -> memref<524288xf32, #tpu.memory_space<vmem_shared>>
      tpu.wait_indirect_dma semaphore(%arg13 : memref<!tpu.dma_semaphore, #tpu.memory_space<semaphore_mem>>) src(%dma_wait3A_136 : memref<524288xf32, #tpu.memory_space<vmem_shared>>) dst(%dma_wait3A_132 : memref<1024xf32, #tpu.memory_space<vmem>>)
      %dma_wait3A_137 = arith.constant 4096 : i32
      %dma_wait3A_138 = tpu.memref_slice %arg11[%dma_wait3A_137] : memref<9216xf32, #tpu.memory_space<vmem>> -> memref<1024xf32, #tpu.memory_space<vmem>>
      %dma_wait3A_139 = arith.constant 1024 : i32
      %dma_wait3A_140 = tpu.memref_slice %arg10[%dma_wait3A_139] : memref<3072xi32, #tpu.memory_space<vmem>> -> memref<1024xi32, #tpu.memory_space<vmem>>
      %dma_wait3A_141 = arith.constant 0 : i32
      %dma_wait3A_142 = tpu.memref_slice %arg8[%dma_wait3A_141] : memref<524288xf32, #tpu.memory_space<vmem_shared>> -> memref<524288xf32, #tpu.memory_space<vmem_shared>>
      tpu.wait_indirect_dma semaphore(%arg13 : memref<!tpu.dma_semaphore, #tpu.memory_space<semaphore_mem>>) src(%dma_wait3A_142 : memref<524288xf32, #tpu.memory_space<vmem_shared>>) dst(%dma_wait3A_138 : memref<1024xf32, #tpu.memory_space<vmem>>)
      %dma_wait3A_143 = arith.constant 5120 : i32
      %dma_wait3A_144 = tpu.memref_slice %arg11[%dma_wait3A_143] : memref<9216xf32, #tpu.memory_space<vmem>> -> memref<1024xf32, #tpu.memory_space<vmem>>
      %dma_wait3A_145 = arith.constant 1024 : i32
      %dma_wait3A_146 = tpu.memref_slice %arg10[%dma_wait3A_145] : memref<3072xi32, #tpu.memory_space<vmem>> -> memref<1024xi32, #tpu.memory_space<vmem>>
      %dma_wait3A_147 = arith.constant 0 : i32
      %dma_wait3A_148 = tpu.memref_slice %arg9[%dma_wait3A_147] : memref<524288xf32, #tpu.memory_space<vmem_shared>> -> memref<524288xf32, #tpu.memory_space<vmem_shared>>
      tpu.wait_indirect_dma semaphore(%arg13 : memref<!tpu.dma_semaphore, #tpu.memory_space<semaphore_mem>>) src(%dma_wait3A_148 : memref<524288xf32, #tpu.memory_space<vmem_shared>>) dst(%dma_wait3A_144 : memref<1024xf32, #tpu.memory_space<vmem>>)
      %dma_wait3A_149 = arith.constant 6144 : i32
      %dma_wait3A_150 = tpu.memref_slice %arg11[%dma_wait3A_149] : memref<9216xf32, #tpu.memory_space<vmem>> -> memref<1024xf32, #tpu.memory_space<vmem>>
      %dma_wait3A_151 = arith.constant 2048 : i32
      %dma_wait3A_152 = tpu.memref_slice %arg10[%dma_wait3A_151] : memref<3072xi32, #tpu.memory_space<vmem>> -> memref<1024xi32, #tpu.memory_space<vmem>>
      %dma_wait3A_153 = arith.constant 0 : i32
      %dma_wait3A_154 = tpu.memref_slice %arg7[%dma_wait3A_153] : memref<524288xf32, #tpu.memory_space<vmem_shared>> -> memref<524288xf32, #tpu.memory_space<vmem_shared>>
      tpu.wait_indirect_dma semaphore(%arg13 : memref<!tpu.dma_semaphore, #tpu.memory_space<semaphore_mem>>) src(%dma_wait3A_154 : memref<524288xf32, #tpu.memory_space<vmem_shared>>) dst(%dma_wait3A_150 : memref<1024xf32, #tpu.memory_space<vmem>>)
      %dma_wait3A_155 = arith.constant 7168 : i32
      %dma_wait3A_156 = tpu.memref_slice %arg11[%dma_wait3A_155] : memref<9216xf32, #tpu.memory_space<vmem>> -> memref<1024xf32, #tpu.memory_space<vmem>>
      %dma_wait3A_157 = arith.constant 2048 : i32
      %dma_wait3A_158 = tpu.memref_slice %arg10[%dma_wait3A_157] : memref<3072xi32, #tpu.memory_space<vmem>> -> memref<1024xi32, #tpu.memory_space<vmem>>
      %dma_wait3A_159 = arith.constant 0 : i32
      %dma_wait3A_160 = tpu.memref_slice %arg8[%dma_wait3A_159] : memref<524288xf32, #tpu.memory_space<vmem_shared>> -> memref<524288xf32, #tpu.memory_space<vmem_shared>>
      tpu.wait_indirect_dma semaphore(%arg13 : memref<!tpu.dma_semaphore, #tpu.memory_space<semaphore_mem>>) src(%dma_wait3A_160 : memref<524288xf32, #tpu.memory_space<vmem_shared>>) dst(%dma_wait3A_156 : memref<1024xf32, #tpu.memory_space<vmem>>)
      %dma_wait3A_161 = arith.constant 8192 : i32
      %dma_wait3A_162 = tpu.memref_slice %arg11[%dma_wait3A_161] : memref<9216xf32, #tpu.memory_space<vmem>> -> memref<1024xf32, #tpu.memory_space<vmem>>
      %dma_wait3A_163 = arith.constant 2048 : i32
      %dma_wait3A_164 = tpu.memref_slice %arg10[%dma_wait3A_163] : memref<3072xi32, #tpu.memory_space<vmem>> -> memref<1024xi32, #tpu.memory_space<vmem>>
      %dma_wait3A_165 = arith.constant 0 : i32
      %dma_wait3A_166 = tpu.memref_slice %arg9[%dma_wait3A_165] : memref<524288xf32, #tpu.memory_space<vmem_shared>> -> memref<524288xf32, #tpu.memory_space<vmem_shared>>
      tpu.wait_indirect_dma semaphore(%arg13 : memref<!tpu.dma_semaphore, #tpu.memory_space<semaphore_mem>>) src(%dma_wait3A_166 : memref<524288xf32, #tpu.memory_space<vmem_shared>>) dst(%dma_wait3A_162 : memref<1024xf32, #tpu.memory_space<vmem>>)
      %scan3A_167 = arith.constant 0 : i32
      %scan3A_168 = arith.constant 0 : i32
      %scan3A_169 = arith.constant 64 : i32
      %scan3A_170 = arith.addi %scan3A_168, %scan3A_169 : i32
      %scan3A_171 = arith.constant 1 : i32
      scf.for %scan3A_175 = %scan3A_168 to %scan3A_170 step %scan3A_171  : i32 {
        %mul3A_176 = arith.constant 16 : i32
        %mul3A_177 = arith.muli %scan3A_175, %mul3A_176 : i32
        %add3A_178 = arith.constant 0 : i32
        %add3A_179 = arith.addi %add3A_178, %mul3A_177 : i32
        %get3A = arith.index_cast %add3A_179 : i32 to index
        %get3A_180 = tpu.vector_load %arg11[%get3A] {strides = array<i32>} : memref<9216xf32, #tpu.memory_space<vmem>>, vector<16xf32>,
        %add3A_181 = arith.constant 1024 : i32
        %add3A_182 = arith.addi %add3A_181, %mul3A_177 : i32
        %get3A_183 = arith.index_cast %add3A_182 : i32 to index
        %get3A_184 = tpu.vector_load %arg11[%get3A_183] {strides = array<i32>} : memref<9216xf32, #tpu.memory_space<vmem>>, vector<16xf32>,
        %add3A_185 = arith.constant 2048 : i32
        %add3A_186 = arith.addi %add3A_185, %mul3A_177 : i32
        %get3A_187 = arith.index_cast %add3A_186 : i32 to index
        %get3A_188 = tpu.vector_load %arg11[%get3A_187] {strides = array<i32>} : memref<9216xf32, #tpu.memory_space<vmem>>, vector<16xf32>,
        %add3A_189 = arith.constant 3072 : i32
        %add3A_190 = arith.addi %add3A_189, %mul3A_177 : i32
        %get3A_191 = arith.index_cast %add3A_190 : i32 to index
        %get3A_192 = tpu.vector_load %arg11[%get3A_191] {strides = array<i32>} : memref<9216xf32, #tpu.memory_space<vmem>>, vector<16xf32>,
        %add3A_193 = arith.constant 4096 : i32
        %add3A_194 = arith.addi %add3A_193, %mul3A_177 : i32
        %get3A_195 = arith.index_cast %add3A_194 : i32 to index
        %get3A_196 = tpu.vector_load %arg11[%get3A_195] {strides = array<i32>} : memref<9216xf32, #tpu.memory_space<vmem>>, vector<16xf32>,
        %add3A_197 = arith.constant 5120 : i32
        %add3A_198 = arith.addi %add3A_197, %mul3A_177 : i32
        %get3A_199 = arith.index_cast %add3A_198 : i32 to index
        %get3A_200 = tpu.vector_load %arg11[%get3A_199] {strides = array<i32>} : memref<9216xf32, #tpu.memory_space<vmem>>, vector<16xf32>,
        %add3A_201 = arith.constant 6144 : i32
        %add3A_202 = arith.addi %add3A_201, %mul3A_177 : i32
        %get3A_203 = arith.index_cast %add3A_202 : i32 to index
        %get3A_204 = tpu.vector_load %arg11[%get3A_203] {strides = array<i32>} : memref<9216xf32, #tpu.memory_space<vmem>>, vector<16xf32>,
        %add3A_205 = arith.constant 7168 : i32
        %add3A_206 = arith.addi %add3A_205, %mul3A_177 : i32
        %get3A_207 = arith.index_cast %add3A_206 : i32 to index
        %get3A_208 = tpu.vector_load %arg11[%get3A_207] {strides = array<i32>} : memref<9216xf32, #tpu.memory_space<vmem>>, vector<16xf32>,
        %add3A_209 = arith.constant 8192 : i32
        %add3A_210 = arith.addi %add3A_209, %mul3A_177 : i32
        %get3A_211 = arith.index_cast %add3A_210 : i32 to index
        %get3A_212 = tpu.vector_load %arg11[%get3A_211] {strides = array<i32>} : memref<9216xf32, #tpu.memory_space<vmem>>, vector<16xf32>,
        %sub3A_213 = arith.subf %get3A_192, %get3A_180 : vector<16xf32>
        %sub3A_214 = arith.subf %get3A_196, %get3A_184 : vector<16xf32>
        %sub3A_215 = arith.subf %get3A_200, %get3A_188 : vector<16xf32>
        %sub3A_216 = arith.subf %get3A_204, %get3A_180 : vector<16xf32>
        %sub3A_217 = arith.subf %get3A_208, %get3A_184 : vector<16xf32>
        %sub3A_218 = arith.subf %get3A_212, %get3A_188 : vector<16xf32>
        %mul3A_219 = arith.mulf %sub3A_213, %sub3A_213 : vector<16xf32>
        %mul3A_220 = arith.mulf %sub3A_214, %sub3A_214 : vector<16xf32>
        %add3A_221 = arith.addf %mul3A_219, %mul3A_220 : vector<16xf32>
        %mul3A_222 = arith.mulf %sub3A_215, %sub3A_215 : vector<16xf32>
        %add3A_223 = arith.addf %add3A_221, %mul3A_222 : vector<16xf32>
        %add3A_224 = arith.constant 1.000000e-35 : f32
        %add3A_225 = vector.broadcast %add3A_224 : f32 to vector<16xf32>
        %add3A_226 = arith.addf %add3A_223, %add3A_225 : vector<16xf32>
        %bitcast3A = vector.bitcast %add3A_226 : vector<16xf32> to vector<16xi32>
        %shift_right_arithmetic3A = arith.constant 1 : i32
        %shift_right_arithmetic3A_227 = vector.broadcast %shift_right_arithmetic3A : i32 to vector<16xi32>
        %shift_right_arithmetic3A_228 = arith.shrsi %bitcast3A, %shift_right_arithmetic3A_227 : vector<16xi32>
        %sub3A_229 = arith.constant 1597463007 : i32
        %sub3A_230 = vector.broadcast %sub3A_229 : i32 to vector<16xi32>
        %sub3A_231 = arith.subi %sub3A_230, %shift_right_arithmetic3A_228 : vector<16xi32>
        %bitcast3A_232 = vector.bitcast %sub3A_231 : vector<16xi32> to vector<16xf32>
        %mul3A_233 = arith.constant 5.000000e-01 : f32
        %mul3A_234 = vector.broadcast %mul3A_233 : f32 to vector<16xf32>
        %mul3A_235 = arith.mulf %add3A_226, %mul3A_234 : vector<16xf32>
        %mul3A_236 = arith.mulf %mul3A_235, %bitcast3A_232 : vector<16xf32>
        %mul3A_237 = arith.mulf %mul3A_236, %bitcast3A_232 : vector<16xf32>
        %sub3A_238 = arith.constant 1.500000e+00 : f32
        %sub3A_239 = vector.broadcast %sub3A_238 : f32 to vector<16xf32>
        %sub3A_240 = arith.subf %sub3A_239, %mul3A_237 : vector<16xf32>
        %mul3A_241 = arith.mulf %bitcast3A_232, %sub3A_240 : vector<16xf32>
        %mul3A_242 = arith.mulf %mul3A_235, %mul3A_241 : vector<16xf32>
        %mul3A_243 = arith.mulf %mul3A_242, %mul3A_241 : vector<16xf32>
        %sub3A_244 = arith.constant 1.500000e+00 : f32
        %sub3A_245 = vector.broadcast %sub3A_244 : f32 to vector<16xf32>
        %sub3A_246 = arith.subf %sub3A_245, %mul3A_243 : vector<16xf32>
        %mul3A_247 = arith.mulf %mul3A_241, %sub3A_246 : vector<16xf32>
        %mul3A_248 = arith.mulf %mul3A_235, %mul3A_247 : vector<16xf32>
        %mul3A_249 = arith.mulf %mul3A_248, %mul3A_247 : vector<16xf32>
        %sub3A_250 = arith.constant 1.500000e+00 : f32
        %sub3A_251 = vector.broadcast %sub3A_250 : f32 to vector<16xf32>
        %sub3A_252 = arith.subf %sub3A_251, %mul3A_249 : vector<16xf32>
        %mul3A_253 = arith.mulf %mul3A_247, %sub3A_252 : vector<16xf32>
        %mul3A_254 = arith.mulf %add3A_223, %mul3A_253 : vector<16xf32>
        %add3A_255 = arith.constant 9.99999997E-7 : f32
        %add3A_256 = vector.broadcast %add3A_255 : f32 to vector<16xf32>
        %add3A_257 = arith.addf %mul3A_254, %add3A_256 : vector<16xf32>
        %div3A_258 = arith.constant 1.000000e+00 : f32
        %div3A_259 = vector.broadcast %div3A_258 : f32 to vector<16xf32>
        %div3A_260 = arith.divf %div3A_259, %add3A_257 : vector<16xf32>
        %mul3A_261 = arith.mulf %sub3A_213, %div3A_260 : vector<16xf32>
        %mul3A_262 = arith.mulf %sub3A_214, %div3A_260 : vector<16xf32>
        %add3A_263 = arith.constant 9.99999997E-7 : f32
        %add3A_264 = vector.broadcast %add3A_263 : f32 to vector<16xf32>
        %add3A_265 = arith.addf %sub3A_215, %add3A_264 : vector<16xf32>
        %mul3A_266 = arith.mulf %add3A_265, %div3A_260 : vector<16xf32>
        %mul3A_267 = arith.mulf %mul3A_262, %sub3A_218 : vector<16xf32>
        %mul3A_268 = arith.mulf %mul3A_266, %sub3A_217 : vector<16xf32>
        %sub3A_269 = arith.subf %mul3A_267, %mul3A_268 : vector<16xf32>
        %mul3A_270 = arith.mulf %mul3A_266, %sub3A_216 : vector<16xf32>
        %mul3A_271 = arith.mulf %mul3A_261, %sub3A_218 : vector<16xf32>
        %sub3A_272 = arith.subf %mul3A_270, %mul3A_271 : vector<16xf32>
        %mul3A_273 = arith.mulf %mul3A_261, %sub3A_217 : vector<16xf32>
        %mul3A_274 = arith.mulf %mul3A_262, %sub3A_216 : vector<16xf32>
        %sub3A_275 = arith.subf %mul3A_273, %mul3A_274 : vector<16xf32>
        %mul3A_276 = arith.mulf %sub3A_269, %sub3A_269 : vector<16xf32>
        %mul3A_277 = arith.mulf %sub3A_272, %sub3A_272 : vector<16xf32>
        %add3A_278 = arith.addf %mul3A_276, %mul3A_277 : vector<16xf32>
        %mul3A_279 = arith.mulf %sub3A_275, %sub3A_275 : vector<16xf32>
        %add3A_280 = arith.addf %add3A_278, %mul3A_279 : vector<16xf32>
        %add3A_281 = arith.constant 1.000000e-35 : f32
        %add3A_282 = vector.broadcast %add3A_281 : f32 to vector<16xf32>
        %add3A_283 = arith.addf %add3A_280, %add3A_282 : vector<16xf32>
        %bitcast3A_284 = vector.bitcast %add3A_283 : vector<16xf32> to vector<16xi32>
        %shift_right_arithmetic3A_285 = arith.constant 1 : i32
        %shift_right_arithmetic3A_286 = vector.broadcast %shift_right_arithmetic3A_285 : i32 to vector<16xi32>
        %shift_right_arithmetic3A_287 = arith.shrsi %bitcast3A_284, %shift_right_arithmetic3A_286 : vector<16xi32>
        %sub3A_288 = arith.constant 1597463007 : i32
        %sub3A_289 = vector.broadcast %sub3A_288 : i32 to vector<16xi32>
        %sub3A_290 = arith.subi %sub3A_289, %shift_right_arithmetic3A_287 : vector<16xi32>
        %bitcast3A_291 = vector.bitcast %sub3A_290 : vector<16xi32> to vector<16xf32>
        %mul3A_292 = arith.constant 5.000000e-01 : f32
        %mul3A_293 = vector.broadcast %mul3A_292 : f32 to vector<16xf32>
        %mul3A_294 = arith.mulf %add3A_283, %mul3A_293 : vector<16xf32>
        %mul3A_295 = arith.mulf %mul3A_294, %bitcast3A_291 : vector<16xf32>
        %mul3A_296 = arith.mulf %mul3A_295, %bitcast3A_291 : vector<16xf32>
        %sub3A_297 = arith.constant 1.500000e+00 : f32
        %sub3A_298 = vector.broadcast %sub3A_297 : f32 to vector<16xf32>
        %sub3A_299 = arith.subf %sub3A_298, %mul3A_296 : vector<16xf32>
        %mul3A_300 = arith.mulf %bitcast3A_291, %sub3A_299 : vector<16xf32>
        %mul3A_301 = arith.mulf %mul3A_294, %mul3A_300 : vector<16xf32>
        %mul3A_302 = arith.mulf %mul3A_301, %mul3A_300 : vector<16xf32>
        %sub3A_303 = arith.constant 1.500000e+00 : f32
        %sub3A_304 = vector.broadcast %sub3A_303 : f32 to vector<16xf32>
        %sub3A_305 = arith.subf %sub3A_304, %mul3A_302 : vector<16xf32>
        %mul3A_306 = arith.mulf %mul3A_300, %sub3A_305 : vector<16xf32>
        %mul3A_307 = arith.mulf %mul3A_294, %mul3A_306 : vector<16xf32>
        %mul3A_308 = arith.mulf %mul3A_307, %mul3A_306 : vector<16xf32>
        %sub3A_309 = arith.constant 1.500000e+00 : f32
        %sub3A_310 = vector.broadcast %sub3A_309 : f32 to vector<16xf32>
        %sub3A_311 = arith.subf %sub3A_310, %mul3A_308 : vector<16xf32>
        %mul3A_312 = arith.mulf %mul3A_306, %sub3A_311 : vector<16xf32>
        %mul3A_313 = arith.mulf %add3A_280, %mul3A_312 : vector<16xf32>
        %add3A_314 = arith.constant 9.99999997E-7 : f32
        %add3A_315 = vector.broadcast %add3A_314 : f32 to vector<16xf32>
        %add3A_316 = arith.addf %mul3A_313, %add3A_315 : vector<16xf32>
        %div3A_317 = arith.constant 1.000000e+00 : f32
        %div3A_318 = vector.broadcast %div3A_317 : f32 to vector<16xf32>
        %div3A_319 = arith.divf %div3A_318, %add3A_316 : vector<16xf32>
        %mul3A_320 = arith.mulf %sub3A_269, %div3A_319 : vector<16xf32>
        %add3A_321 = arith.constant 9.99999997E-7 : f32
        %add3A_322 = vector.broadcast %add3A_321 : f32 to vector<16xf32>
        %add3A_323 = arith.addf %sub3A_272, %add3A_322 : vector<16xf32>
        %mul3A_324 = arith.mulf %add3A_323, %div3A_319 : vector<16xf32>
        %mul3A_325 = arith.mulf %sub3A_275, %div3A_319 : vector<16xf32>
        %mul3A_326 = arith.mulf %mul3A_324, %mul3A_266 : vector<16xf32>
        %mul3A_327 = arith.mulf %mul3A_325, %mul3A_262 : vector<16xf32>
        %sub3A_328 = arith.subf %mul3A_326, %mul3A_327 : vector<16xf32>
        %mul3A_329 = arith.mulf %mul3A_325, %mul3A_261 : vector<16xf32>
        %mul3A_330 = arith.mulf %mul3A_320, %mul3A_266 : vector<16xf32>
        %sub3A_331 = arith.subf %mul3A_329, %mul3A_330 : vector<16xf32>
        %mul3A_332 = arith.mulf %mul3A_320, %mul3A_262 : vector<16xf32>
        %mul3A_333 = arith.mulf %mul3A_324, %mul3A_261 : vector<16xf32>
        %sub3A_334 = arith.subf %mul3A_332, %mul3A_333 : vector<16xf32>
        %mul3A_335 = arith.mulf %sub3A_328, %sub3A_328 : vector<16xf32>
        %mul3A_336 = arith.mulf %sub3A_331, %sub3A_331 : vector<16xf32>
        %add3A_337 = arith.addf %mul3A_335, %mul3A_336 : vector<16xf32>
        %mul3A_338 = arith.mulf %sub3A_334, %sub3A_334 : vector<16xf32>
        %add3A_339 = arith.addf %add3A_337, %mul3A_338 : vector<16xf32>
        %add3A_340 = arith.constant 1.000000e-35 : f32
        %add3A_341 = vector.broadcast %add3A_340 : f32 to vector<16xf32>
        %add3A_342 = arith.addf %add3A_339, %add3A_341 : vector<16xf32>
        %bitcast3A_343 = vector.bitcast %add3A_342 : vector<16xf32> to vector<16xi32>
        %shift_right_arithmetic3A_344 = arith.constant 1 : i32
        %shift_right_arithmetic3A_345 = vector.broadcast %shift_right_arithmetic3A_344 : i32 to vector<16xi32>
        %shift_right_arithmetic3A_346 = arith.shrsi %bitcast3A_343, %shift_right_arithmetic3A_345 : vector<16xi32>
        %sub3A_347 = arith.constant 1597463007 : i32
        %sub3A_348 = vector.broadcast %sub3A_347 : i32 to vector<16xi32>
        %sub3A_349 = arith.subi %sub3A_348, %shift_right_arithmetic3A_346 : vector<16xi32>
        %bitcast3A_350 = vector.bitcast %sub3A_349 : vector<16xi32> to vector<16xf32>
        %mul3A_351 = arith.constant 5.000000e-01 : f32
        %mul3A_352 = vector.broadcast %mul3A_351 : f32 to vector<16xf32>
        %mul3A_353 = arith.mulf %add3A_342, %mul3A_352 : vector<16xf32>
        %mul3A_354 = arith.mulf %mul3A_353, %bitcast3A_350 : vector<16xf32>
        %mul3A_355 = arith.mulf %mul3A_354, %bitcast3A_350 : vector<16xf32>
        %sub3A_356 = arith.constant 1.500000e+00 : f32
        %sub3A_357 = vector.broadcast %sub3A_356 : f32 to vector<16xf32>
        %sub3A_358 = arith.subf %sub3A_357, %mul3A_355 : vector<16xf32>
        %mul3A_359 = arith.mulf %bitcast3A_350, %sub3A_358 : vector<16xf32>
        %mul3A_360 = arith.mulf %mul3A_353, %mul3A_359 : vector<16xf32>
        %mul3A_361 = arith.mulf %mul3A_360, %mul3A_359 : vector<16xf32>
        %sub3A_362 = arith.constant 1.500000e+00 : f32
        %sub3A_363 = vector.broadcast %sub3A_362 : f32 to vector<16xf32>
        %sub3A_364 = arith.subf %sub3A_363, %mul3A_361 : vector<16xf32>
        %mul3A_365 = arith.mulf %mul3A_359, %sub3A_364 : vector<16xf32>
        %mul3A_366 = arith.mulf %mul3A_353, %mul3A_365 : vector<16xf32>
        %mul3A_367 = arith.mulf %mul3A_366, %mul3A_365 : vector<16xf32>
        %sub3A_368 = arith.constant 1.500000e+00 : f32
        %sub3A_369 = vector.broadcast %sub3A_368 : f32 to vector<16xf32>
        %sub3A_370 = arith.subf %sub3A_369, %mul3A_367 : vector<16xf32>
        %mul3A_371 = arith.mulf %mul3A_365, %sub3A_370 : vector<16xf32>
        %mul3A_372 = arith.mulf %add3A_339, %mul3A_371 : vector<16xf32>
        %add3A_373 = arith.constant 9.99999997E-7 : f32
        %add3A_374 = vector.broadcast %add3A_373 : f32 to vector<16xf32>
        %add3A_375 = arith.addf %mul3A_372, %add3A_374 : vector<16xf32>
        %div3A_376 = arith.constant 1.000000e+00 : f32
        %div3A_377 = vector.broadcast %div3A_376 : f32 to vector<16xf32>
        %div3A_378 = arith.divf %div3A_377, %add3A_375 : vector<16xf32>
        %add3A_379 = arith.constant 9.99999997E-7 : f32
        %add3A_380 = vector.broadcast %add3A_379 : f32 to vector<16xf32>
        %add3A_381 = arith.addf %sub3A_328, %add3A_380 : vector<16xf32>
        %mul3A_382 = arith.mulf %add3A_381, %div3A_378 : vector<16xf32>
        %mul3A_383 = arith.mulf %sub3A_331, %div3A_378 : vector<16xf32>
        %mul3A_384 = arith.mulf %sub3A_334, %div3A_378 : vector<16xf32>
        %mul3A_385 = arith.constant 12 : i32
        %mul3A_386 = arith.muli %mul3A_177, %mul3A_385 : i32
        %add3A_387 = vector.broadcast %mul3A_386 : i32 to vector<16xi32>
        %add3A_388 = arith.addi %mul3A_42, %add3A_387 : vector<16xi32>
        %add3A_389 = arith.constant 0 : i32
        %add3A_390 = vector.broadcast %add3A_389 : i32 to vector<16xi32>
        %add3A_391 = arith.addi %add3A_388, %add3A_390 : vector<16xi32>
        tpu.vector_store_idx %arg12[%add3A_391], %get3A_180 : memref<12288xf32, #tpu.memory_space<vmem>>[vector<16xi32>], vector<16xf32>,
        %add3A_392 = arith.constant 1 : i32
        %add3A_393 = vector.broadcast %add3A_392 : i32 to vector<16xi32>
        %add3A_394 = arith.addi %add3A_388, %add3A_393 : vector<16xi32>
        tpu.vector_store_idx %arg12[%add3A_394], %get3A_184 : memref<12288xf32, #tpu.memory_space<vmem>>[vector<16xi32>], vector<16xf32>,
        %add3A_395 = arith.constant 2 : i32
        %add3A_396 = vector.broadcast %add3A_395 : i32 to vector<16xi32>
        %add3A_397 = arith.addi %add3A_388, %add3A_396 : vector<16xi32>
        tpu.vector_store_idx %arg12[%add3A_397], %get3A_188 : memref<12288xf32, #tpu.memory_space<vmem>>[vector<16xi32>], vector<16xf32>,
        %add3A_398 = arith.constant 3 : i32
        %add3A_399 = vector.broadcast %add3A_398 : i32 to vector<16xi32>
        %add3A_400 = arith.addi %add3A_388, %add3A_399 : vector<16xi32>
        tpu.vector_store_idx %arg12[%add3A_400], %mul3A_382 : memref<12288xf32, #tpu.memory_space<vmem>>[vector<16xi32>], vector<16xf32>,
        %add3A_401 = arith.constant 4 : i32
        %add3A_402 = vector.broadcast %add3A_401 : i32 to vector<16xi32>
        %add3A_403 = arith.addi %add3A_388, %add3A_402 : vector<16xi32>
        tpu.vector_store_idx %arg12[%add3A_403], %mul3A_383 : memref<12288xf32, #tpu.memory_space<vmem>>[vector<16xi32>], vector<16xf32>,
        %add3A_404 = arith.constant 5 : i32
        %add3A_405 = vector.broadcast %add3A_404 : i32 to vector<16xi32>
        %add3A_406 = arith.addi %add3A_388, %add3A_405 : vector<16xi32>
        tpu.vector_store_idx %arg12[%add3A_406], %mul3A_384 : memref<12288xf32, #tpu.memory_space<vmem>>[vector<16xi32>], vector<16xf32>,
        %add3A_407 = arith.constant 6 : i32
        %add3A_408 = vector.broadcast %add3A_407 : i32 to vector<16xi32>
        %add3A_409 = arith.addi %add3A_388, %add3A_408 : vector<16xi32>
        tpu.vector_store_idx %arg12[%add3A_409], %mul3A_320 : memref<12288xf32, #tpu.memory_space<vmem>>[vector<16xi32>], vector<16xf32>,
        %add3A_410 = arith.constant 7 : i32
        %add3A_411 = vector.broadcast %add3A_410 : i32 to vector<16xi32>
        %add3A_412 = arith.addi %add3A_388, %add3A_411 : vector<16xi32>
        tpu.vector_store_idx %arg12[%add3A_412], %mul3A_324 : memref<12288xf32, #tpu.memory_space<vmem>>[vector<16xi32>], vector<16xf32>,
        %add3A_413 = arith.constant 8 : i32
        %add3A_414 = vector.broadcast %add3A_413 : i32 to vector<16xi32>
        %add3A_415 = arith.addi %add3A_388, %add3A_414 : vector<16xi32>
        tpu.vector_store_idx %arg12[%add3A_415], %mul3A_325 : memref<12288xf32, #tpu.memory_space<vmem>>[vector<16xi32>], vector<16xf32>,
        %add3A_416 = arith.constant 9 : i32
        %add3A_417 = vector.broadcast %add3A_416 : i32 to vector<16xi32>
        %add3A_418 = arith.addi %add3A_388, %add3A_417 : vector<16xi32>
        tpu.vector_store_idx %arg12[%add3A_418], %mul3A_261 : memref<12288xf32, #tpu.memory_space<vmem>>[vector<16xi32>], vector<16xf32>,
        %add3A_419 = arith.constant 10 : i32
        %add3A_420 = vector.broadcast %add3A_419 : i32 to vector<16xi32>
        %add3A_421 = arith.addi %add3A_388, %add3A_420 : vector<16xi32>
        tpu.vector_store_idx %arg12[%add3A_421], %mul3A_262 : memref<12288xf32, #tpu.memory_space<vmem>>[vector<16xi32>], vector<16xf32>,
        %add3A_422 = arith.constant 11 : i32
        %add3A_423 = vector.broadcast %add3A_422 : i32 to vector<16xi32>
        %add3A_424 = arith.addi %add3A_388, %add3A_423 : vector<16xi32>
        tpu.vector_store_idx %arg12[%add3A_424], %mul3A_266 : memref<12288xf32, #tpu.memory_space<vmem>>[vector<16xi32>], vector<16xf32>,
      }
      %scan3A_172 = arith.constant 64 : i32
      %mul3A_173 = arith.constant 12 : i32
      %mul3A_174 = arith.muli %add3A_53, %mul3A_173 : i32
      "tpu.region"() ({
        %run_scoped3A = tpu.sem_alloc : memref<!tpu.dma_semaphore, #tpu.memory_space<semaphore_mem>>
        %dma_start3A_175 = tpu.memref_slice %arg6[%add3A, %mul3A_174] : memref<16x393216xf32, #tpu.memory_space<hbm>> -> memref<1x12288xf32, #tpu.memory_space<hbm>>
        %dma_start3A_176 = tpu.memref_squeeze %dma_start3A_175 : memref<1x12288xf32, #tpu.memory_space<hbm>> -> memref<12288xf32, #tpu.memory_space<hbm>>
        %dma_start3A_177 = tpu.memref_slice %arg6[%add3A, %mul3A_174] : memref<16x393216xf32, #tpu.memory_space<hbm>> -> memref<1x12288xf32, #tpu.memory_space<hbm>>
        %dma_start3A_178 = tpu.memref_squeeze %dma_start3A_177 : memref<1x12288xf32, #tpu.memory_space<hbm>> -> memref<12288xf32, #tpu.memory_space<hbm>>
        tpu.enqueue_dma source(%arg12 : memref<12288xf32, #tpu.memory_space<vmem>>) target(%dma_start3A_178 : memref<12288xf32, #tpu.memory_space<hbm>>) target_semaphore(%run_scoped3A : memref<!tpu.dma_semaphore, #tpu.memory_space<semaphore_mem>>)
        %dma_wait3A_179 = tpu.memref_slice %arg6[%add3A, %mul3A_174] : memref<16x393216xf32, #tpu.memory_space<hbm>> -> memref<1x12288xf32, #tpu.memory_space<hbm>>
        %dma_wait3A_180 = tpu.memref_squeeze %dma_wait3A_179 : memref<1x12288xf32, #tpu.memory_space<hbm>> -> memref<12288xf32, #tpu.memory_space<hbm>>
        %dma_wait3A_181 = tpu.memref_slice %arg6[%add3A, %mul3A_174] : memref<16x393216xf32, #tpu.memory_space<hbm>> -> memref<1x12288xf32, #tpu.memory_space<hbm>>
        %dma_wait3A_182 = tpu.memref_squeeze %dma_wait3A_181 : memref<1x12288xf32, #tpu.memory_space<hbm>> -> memref<12288xf32, #tpu.memory_space<hbm>>
        tpu.wait_dma2 semaphore(%run_scoped3A : memref<!tpu.dma_semaphore, #tpu.memory_space<semaphore_mem>>) src(%arg12 : memref<12288xf32, #tpu.memory_space<vmem>>) dst(%dma_wait3A_182 : memref<12288xf32, #tpu.memory_space<hbm>>)
        tpu.yield
      }) : () -> ()
    }
    %scan3A_47 = arith.constant 16 : i32
    return
  }
}

</mosaic_0001>

<sc_bundles>
// kernel: _frames.3.cloned.1.call-start
scs
__scs_entry_jumppad:
0x0: {  	(pc) =	sbr.rel $0x88, $3  }
0x1: {  	(tag) =	ssettag $0x0;
	lr =	simm.s32 $0x1  }
0x2: {  	[smem:$0x3F9D] =	sst lr;
	_ =	strace $0xD0000000  }
0x3: {  	_ = 	snop  }
0x4: {  	_ = 	snop  }
0x5: {  	_ = 	snop  }
0x6: {  	_ = 	snop  }
0x7: {  	_ = 	snop  }
__scs_overlays_trampoline_lowered:
0x8: {  	[smem:$0x3FAC] =	sst s0  }
0x9: {  	[smem:$0x3FAD] =	sst s1  }
0xa: {  	[smem:$0x3FAE] =	sst s2  }
0xb: {  	[smem:$0x3FAF] =	sst s3  }
0xc: {  	[smem:$0x3FB0] =	sst s4  }
0xd: {  	[smem:$0x3FB1] =	sst s5  }
0xe: {  	[smem:$0x3FB2] =	sst s6  }
0xf: {  	[smem:$0x3FB3] =	sst s7  }
0x10: {  	[smem:$0x3FB4] =	sst s8  }
0x11: {  	[smem:$0x3FB5] =	sst s9;
	s0 =	simm.s32 @!p0 $0x0  }
0x12: {  	s1 =	sld [smem:$0x3F9B];
	s0 =	simm.s32 @p0 $0x1  }
0x13: {  	[smem:$0x3FB6] =	sst s0;
	s0 =	simm.s32 @!p1 $0x0  }
0x14: {  	s2 =	sld [smem:$0x3F9A];
	s0 =	simm.s32 @p1 $0x1  }
0x15: {  	[smem:$0x3FB7] =	sst s0;
	s0 =	simm.s32 @!p2 $0x0  }
0x16: {  	s3 =	sld [smem:$0x3FDB];
	s0 =	simm.s32 @p2 $0x1  }
0x17: {  	s4 =	simm.s32 $0x1BF5;
	[smem:$0x3FB9] =	sst s0  }
0x18: {  	s0 =	sld [smem:$0x3F9C];
	_ =	swait.ge [sflag:s4], $0x0  }
0x19: {  	s7 =	sld [smem:$0x3F9D]  }
0x1a: {  	s8 =	sadd.s32 $0xFFFFE003, lr  }
0x1b: {  	s9 =	sadd.s32 $0xFFFFFEF7, lr;
	s5 =	simm.s32 $0xFFFFFFFF;
	p2 =	slt.u32 s8, $0xFFFFF086  }
0x1c: {  	p1 =	slt.u32 s9, $0xF7A;
	s5 =	simm.s32 @!p2 $0x0  }
0x1d: {  	s5 =	simm.s32 @p1 $0x1;
	p0 =	seq.s32 s7, s2  }
0x1e: {  	s7 =	smul.u32 @!p0 $0xF7A, s2;
	p2 =	seq.s32 @!p0 s5, $0x0  }
0x1f: {  	s9 =	smul.u32 $0xF7A, s1;
	s8 =	simm.s32 @!p0 $0x1BF5;
	p2 =	por !p2, p0  }
0x20: {  	[sflag:s8] =	ssyncset.s32 @!p0 $0xFFFFF086;
	s6 =	sadd.s32 @!p0 s3, s7;
	s7 =	simm.s32 @!p0 $0x108  }
0x21: {  	s3 =	sadd.s32 s3, s9;
	s6 =	sadd.s32 @!p0 $0x88, s6;
	s7 =	simm.s32 @p2 $0x1082  }
0x22: {  	[simem:s7], [sflag:s8] =	dma.local @!p0 [hbm:s6], $0xF7A  }
0x23: {  	s9 =	sor.u32 $0xD0000000, s2;
	s6 =	simm.s32 $0x108;
	_ =	swait.ge @!p0 [sflag:s8], $0x0  }
0x24: {  	s3 =	sadd.s32 $0x88, s3;
	s6 =	simm.s32 @!p1 $0x1082;
	[sflag:s4] =	ssyncset.s32 $0xFFFFF086  }
0x25: {  	[simem:s6], [sflag:s4] =	dma.local [hbm:s3], $0xF7A  }
0x26: {  	[smem:$0x3F9D] =	sst s1;
	(tag) =	ssettag s2;
	_ =	strace s9  }
0x27: {  	s1 =	sld [smem:$0x3FAD]  }
0x28: {  	s2 =	sld [smem:$0x3FAE]  }
0x29: {  	s4 =	sld [smem:$0x3FB0]  }
0x2a: {  	p0 =	seq.s32 s5, $0x0;
	s5 =	sld [smem:$0x3FB1]  }
0x2b: {  	s6 =	sld [smem:$0x3FB2]  }
0x2c: {  	s7 =	sld [smem:$0x3FB3]  }
0x2d: {  	s3 =	simm.s32 $0x108;
	s8 =	sld [smem:$0x3FB4]  }
0x2e: {  	s3 =	simm.s32 @!p0 $0x1082;
	s9 =	sld [smem:$0x3FB5]  }
0x2f: {  	lr =	sadd.s32 s0, s3;
	s0 =	sld [smem:$0x3FAC]  }
0x30: {  	s3 =	sld [smem:$0x3FAF]  }
0x31: {  	[smem:$0x3FB8] =	sst s10  }
0x32: {  	s10 =	sld [smem:$0x3FB6];
	_ =	sdelay $0x3  }
0x33: {  	p0 =	seq.s32 s10, $0x1;
	s10 =	sld [smem:$0x3FB8];
	_ =	sdelay $0x3  }
0x34: {  	[smem:$0x3FB8] =	sst s10  }
0x35: {  	s10 =	sld [smem:$0x3FB7];
	_ =	sdelay $0x3  }
0x36: {  	p1 =	seq.s32 s10, $0x1;
	s10 =	sld [smem:$0x3FB8];
	_ =	sdelay $0x3  }
0x37: {  	[smem:$0x3FB8] =	sst s10  }
0x38: {  	s10 =	sld [smem:$0x3FB9]  }
0x39: {  	_ = 	snop;
	(pc) =	sbr.ind lr, $3  }
0x3a: {  	_ = 	snop  }
0x3b: {  	_ = 	snop  }
0x3c: {  	p2 =	seq.s32 s10, $0x1;
	s10 =	sld [smem:$0x3FB8]  }
0x3d: {  	_ =	shalt  }
0x3e: {  	_ =	shalt  }
0x3f: {  	_ =	shalt  }
0x40: {  	_ =	shalt  }
0x41: {  	_ =	shalt  }
0x42: {  	_ =	shalt  }
0x43: {  	_ =	shalt  }
0x44: {  	_ =	shalt  }
0x45: {  	_ =	shalt  }
0x46: {  	_ =	shalt  }
0x47: {  	_ =	shalt  }
0x48: {  	_ =	shalt  }
0x49: {  	_ =	shalt  }
0x4a: {  	_ =	shalt  }
0x4b: {  	_ =	shalt  }
0x4c: {  	_ =	shalt  }
0x4d: {  	_ =	shalt  }
0x4e: {  	_ =	shalt  }
0x4f: {  	_ =	shalt  }
0x50: {  	_ =	shalt  }
0x51: {  	_ =	shalt  }
0x52: {  	_ =	shalt  }
0x53: {  	_ =	shalt  }
0x54: {  	_ =	shalt  }
0x55: {  	_ =	shalt  }
0x56: {  	_ =	shalt  }
0x57: {  	_ =	shalt  }
0x58: {  	_ =	shalt  }
0x59: {  	_ =	shalt  }
0x5a: {  	_ =	shalt  }
0x5b: {  	_ =	shalt  }
0x5c: {  	_ =	shalt  }
0x5d: {  	_ =	shalt  }
0x5e: {  	_ =	shalt  }
0x5f: {  	_ =	shalt  }
0x60: {  	_ =	shalt  }
0x61: {  	_ =	shalt  }
0x62: {  	_ =	shalt  }
0x63: {  	_ =	shalt  }
0x64: {  	_ =	shalt  }
0x65: {  	_ =	shalt  }
0x66: {  	_ =	shalt  }
0x67: {  	_ =	shalt  }
0x68: {  	_ =	shalt  }
0x69: {  	_ =	shalt  }
0x6a: {  	_ =	shalt  }
0x6b: {  	_ =	shalt  }
0x6c: {  	_ =	shalt  }
0x6d: {  	_ =	shalt  }
0x6e: {  	_ =	shalt  }
0x6f: {  	_ =	shalt  }
0x70: {  	_ =	shalt  }
0x71: {  	_ =	shalt  }
0x72: {  	_ =	shalt  }
0x73: {  	_ =	shalt  }
0x74: {  	_ =	shalt  }
0x75: {  	_ =	shalt  }
0x76: {  	_ =	shalt  }
0x77: {  	_ =	shalt  }
0x78: {  	_ =	shalt  }
0x79: {  	_ =	shalt  }
0x7a: {  	_ =	shalt  }
0x7b: {  	_ =	shalt  }
0x7c: {  	_ =	shalt  }
0x7d: {  	_ =	shalt  }
0x7e: {  	_ =	shalt  }
0x7f: {  	_ =	shalt  }
0x80: {  	_ =	shalt  }
0x81: {  	_ =	shalt  }
0x82: {  	_ =	shalt  }
0x83: {  	_ =	shalt  }
0x84: {  	_ =	shalt  }
0x85: {  	_ =	shalt  }
0x86: {  	_ =	shalt  }
0x87: {  	_ =	shalt  }
.Lfunc_end0:
.L_simem_size_0:
called_computation_lowered:
.L_overlay_start_0:
0x88: {  	s2 =	sld [smem:$0x3FD9]  }
0x89: {  	s3 =	sld [smem:$0x3FFE];
	_ =	sdelay $0x1  }
0x8a: {  	s1 =	srdreg.scid  }
0x8b: {  	s0 =	sand.u32 $0x1, s1  }
0x8c: {  	s18 =	sshll.u32 s0, $0xA;
	s2 =	sadd.s32 s3, s2  }
0x8d: {  	s2 =	sadd.s32 s2, s18  }
0x8e: {  	[smem:$0x3FC4] =	sst s2  }
0x8f: {  	_ = 	snop  }
0x90: {  	s2 =	sld [smem:$0x3FC9]  }
0x91: {  	s19 =	sld [smem:$0x3FC8]  }
0x92: {  	s4 =	sld [smem:$0x3FC7]  }
0x93: {  	s5 =	sld [smem:$0x3FC6]  }
0x94: {  	s6 =	sld [smem:$0x3FD0];
	(tm) =	ssettm $0x1  }
0x95: {  	s7 =	sld [smem:$0x3FFB];
	_ =	sdelay $0x3  }
0x96: {  	_ =	strace s7  }
0x97: {  	s7 =	sld [smem:$0x3FFC];
	_ =	sdelay $0x3  }
0x98: {  	_ =	strace s7  }
0x99: {  	s7 =	sld [smem:$0x3FFD];
	_ =	sdelay $0x3  }
0x9a: {  	_ =	strace s7  }
0x9b: {  	_ =	strace $0x8FFFFFFF  }
0x9c: {  	s20 =	sld [smem:$0x3FDB];
	_ =	sdelay $0x1  }
0x9d: {  	s8 =	simm.s32 $_scs_section_size  }
0x9e: {  	s9 =	simm.s32 $_size__tile_overlayer_lowered;
	s10 =	simm.s32 $_tile_overlayer_lowered  }
0x9f: {  	s23 =	simm.s32 $0x1BFF;
	s22 =	sshll.u32 s10, $0x1;
	s7 =	sadd.s32 s8, s20  }
0xa0: {  	s11 =	simm.s32 $0x0;
	s21 =	sshll.u32 s9, $0x1;
	s9 =	sadd.s32 s22, s7  }
0xa1: {  	[timem:s11], [sflag:s23] =	dma.local [hbm:s9], s21  }
0xa2: {  	_ =	swait.ge [sflag:s23], s21  }
0xa3: {  	s8 =	ssub.s32 $0x0, s21;
	[sflag:s23] =	ssyncset.done $0x0  }
0xa4: {  	[sflag:s23] =	ssyncadd.s32 s8;
	_ =	sdelay $0x1  }
0xa5: {  	s24 =	simm.s32 $0x1B8B  }
0xa6: {  	_ =	swait.ge [sflag:s24], $0x1  }
0xa7: {  	[sflag:s24] =	ssyncset.done $0x0  }
0xa8: {  	s25 =	simm.s32 $0x1B8E;
	[sflag:s24] =	ssyncadd.s32 $0xFFFFFFFF  }
0xa9: {  	s26 =	simm.s32 $execute0_lowered;
	[smem:$0x3FD2] =	sst s25  }
0xaa: {  	s8 =	sshll.u32 s26, $0x1;
	_ =	strace $0x80000046;
	[dreg:$0x1] =	wrdreg $0xFFFFFFFF  }
0xab: {  	s28 =	simm.s32 $_size_execute0_lowered;
	s7 =	sadd.s32 s7, s8;
	[dreg:$0x0] =	wrdreg $0x0  }
0xac: {  	s8 =	sshll.u32 s28, $0x1;
	[dreg:$0x2] =	wrdreg s7  }
0xad: {  	[dreg:$0x3] =	wrdreg s8  }
0xae: {  	[dreg:$0x4] =	wrdreg $0xC0  }
0xaf: {  	_ =	task [dreg:s11], $0x5FFFF  }
0xb0: {  	[dreg:$0x1] =	wrdreg $0xFFFFFFFF  }
0xb1: {  	[dreg:$0x0] =	wrdreg $0x60  }
0xb2: {  	[dreg:$0x2] =	wrdreg s2  }
0xb3: {  	[dreg:$0x3] =	wrdreg s19  }
0xb4: {  	[dreg:$0x4] =	wrdreg s4  }
0xb5: {  	[dreg:$0x5] =	wrdreg s5  }
0xb6: {  	[dreg:$0x6] =	wrdreg s6  }
0xb7: {  	[dreg:$0x7] =	wrdreg $0x0  }
0xb8: {  	[dreg:$0x8] =	wrdreg $0x80000  }
0xb9: {  	[dreg:$0x9] =	wrdreg $0x100000  }
0xba: {  	[dreg:$0xa] =	wrdreg $0x9  }
0xbb: {  	_ =	task.clear_ibuf [dreg:s11], $0xBFFFF;
	_ =	strace $0x90000046  }
0xbc: {  	s29 =	simm.s32 $0x9;
	_ =	strace $0x80000048  }
0xbd: {  	_ =	swait.ge [sflag:s29], $0x1  }
0xbe: {  	[sflag:s29] =	ssyncadd.s32 $0xFFFFFFFF  }
0xbf: {  	_ =	strace $0x90000048  }
0xc0: {  	_ =	sfence  }
0xc1: {  	s30 =	sld [smem:$0x0];
	_ =	sdelay $0x2  }
0xc2: {  	s31 =	sshll.u32 s1, $0xD;
	s1 =	sshrl.u32 s1, $0x2  }
0xc3: {  	s3 =	sand.u32 $0x4000, s31;
	s1 =	sadd.s32 s1, s30  }
0xc4: {  	s0 =	sor.u32 s3, s0;
	s1 =	sshll.u32 s1, $0x11  }
0xc5: {  	s0 =	sor.u32 s1, s0  }
0xc6: {  	s0 =	sadd.s32 $0x8F2B, s0  }
0xc7: {  	[sflag:s0] =	ssyncadd.remote.s32 $0x1  }
0xc8: {  	_ =	sfence.sel $0xFFFF  }
0xc9: {  	[dreg:$0x0] =	wrdreg $0xFFFFFFFF;
	(pc) =	sbr.abs _section_cstart, $3  }
0xca: {  	[dreg:$0x1] =	wrdreg $0xFFFFFFFF  }
0xcb: {  	_ =	task.clear_ibuf [dreg:s11], $0x2FFFF;
	_ =	strace $0x9FFFFFFF  }
0xcc: {  	(tm) =	ssettm $0x7FFFFFFF  }
0xcd: {  	_ =	shalt  }
tec
execute0_lowered:
.L_overlay_start_1:
0x0: {  	(tag) =	ssettag $0x1  }
0x1: {  	s0 =	rddreg [dreg:$0x0]  }
0x2: {  	s7 =	rddreg [dreg:$0x1]  }
0x3: {  	s8 =	rddreg [dreg:$0x2]  }
0x4: {  	s1 =	rddreg [dreg:$0x3]  }
0x5: {  	s2 =	rddreg [dreg:$0x4]  }
0x6: {  	s3 =	rddreg [dreg:$0x5]  }
0x7: {  	s4 =	rddreg [dreg:$0x6]  }
0x8: {  	s5 =	rddreg [dreg:$0x7]  }
0x9: {  	s6 =	simm.s32 $0x0;
	s9 =	srdreg.scid;
	s14 =	stileid.u32  }
0xa: {  	s18 =	simm.s32 $0x2;
	s28 =	simm.s32 $0x19800;
	s29 =	simm.s32 $0x19C00  }
0xb: {  	s30 =	simm.s32 $0x1A000;
	s31 =	simm.s32 $0x18800;
	[smem:$0x7FF] =	sst s6  }
0xc: {  	s9 =	sand.u32 $0x1, s9;
	s12 =	sshll.u32 s14, $0xF;
	s19 =	sand.u32 $0x1, s14  }
0xd: {  	s14 =	sshll.u32 s14, $0x6;
	_ =	strace $0x80000047;
	s10 =	ssub.s32 $0x2, s9  }
0xe: {  	s13 =	sshll.u32 s9, $0x13;
	s16 =	sadd.s32 s12, s3;
	s20 =	sor.u32 $0x1C02, s14  }
0xf: {  	s21 =	sadd.s32 s12, s4;
	s22 =	sadd.s32 s12, s5;
	s15 =	smul.u32 $0xC0000, s9  }
0x10: {  	s23 =	sand.u32 $0x380, s14;
	s9 =	smul.u32 $0x300000, s9;
	s11 =	sshrl.u32 s10, $0x1  }
0x11: {  	s13 =	sor.u32 s12, s13;
	[dreg:$0xa] =	wrdreg s20;
	s12 =	sshll.u32 s19, $0xE  }
0x12: {  	s25 =	sshrl.u32 s16, $0x3;
	s26 =	sshrl.u32 s22, $0x3;
	s22 =	simm.s32 $0x400  }
0x13: {  	s10 =	ssub.s32 s10, s11;
	s13 =	sshrl.u32 s13, $0x3;
	[dreg:$0xe] =	wrdreg s25  }
0x14: {  	s14 =	sor.u32 s23, s15;
	s15 =	sor.u32 s23, s9;
	[dreg:$0x10] =	wrdreg s26  }
0x15: {  	v0 =	vlaneseq.u32;
	s23 =	simm.s32 $0x18000;
	s25 =	simm.s32 $0x19400;
	s0 =	sadd.s32 s0, s13  }
0x16: {  	v0 =	vmul.u32 $0xC, v0;
	s26 =	simm.s32 $0x18400;
	s7 =	sadd.s32 s7, s13;
	[dreg:$0x9] =	wrdreg s0  }
0x17: {  	s11 =	simm.s32 $0x1B000;
	s8 =	sadd.s32 s8, s13;
	[dreg:$0xb] =	wrdreg s7  }
0x18: {  	v1 =	vor.u32 $0x1, v0;
	v2 =	vor.u32 $0x2, v0;
	s13 =	sshll.u32 s19, $0x4;
	s24 =	smax.u32 s10, $0x1;
	[dreg:$0xc] =	wrdreg s8  }
0x19: {  	v3 =	vor.u32 $0x3, v0;
	v4 =	vadd.s32 $0x4, v0;
	v5 =	vadd.s32 $0x5, v0;
	s10 =	simm.s32 $0x1;
	[dreg:$0xd] =	wrdreg s24;
	s0 =	sshrl.u32 s21, $0x3  }
0x1a: {  	v6 =	vadd.s32 $0x6, v0;
	v7 =	vadd.s32 $0x7, v0;
	v8 =	vadd.s32 $0x8, v0;
	s21 =	simm.s32 $0x80;
	s24 =	simm.s32 $0x19000;
	s7 =	simm.s32 $0x1A800  }
0x1b: {  	v9 =	vadd.s32 $0x9, v0;
	v10 =	vadd.s32 $0xA, v0;
	v11 =	vadd.s32 $0xB, v0;
	s8 =	simm.s32 $0x1AC00;
	[dreg:$0xf] =	wrdreg s0;
	s0 =	simm.s32 $0x1A400  }
.LBB2_1:
0x1c: {  	s9 =	rddreg [dreg:$0x9]  }
0x1d: {  	s16 =	rddreg [dreg:$0xa]  }
0x1e: {  	s17 =	rddreg [dreg:$0xe]  }
0x1f: {  	[spmem:s17], [sflag:s16] =	dma.local [hbm:s9], $0x1000  }
0x20: {  	_ =	swait.ge [sflag:s18], $0x1000  }
0x21: {  	[sflag:s18] =	ssyncset.done $0x0;
	s19 =	rddreg [dreg:$0xb]  }
0x22: {  	s20 =	rddreg [dreg:$0xf];
	[sflag:s18] =	ssyncadd.s32 $0xFFFFF000  }
0x23: {  	[spmem:s20], [sflag:s16] =	dma.local [hbm:s19], $0x1000  }
0x24: {  	_ =	swait.ge [sflag:s18], $0x1000  }
0x25: {  	[sflag:s18] =	ssyncset.done $0x0;
	s19 =	rddreg [dreg:$0xc]  }
0x26: {  	s20 =	rddreg [dreg:$0x10];
	[sflag:s18] =	ssyncadd.s32 $0xFFFFF000  }
0x27: {  	[spmem:s20], [sflag:s16] =	dma.local [hbm:s19], $0x1000  }
0x28: {  	_ =	swait.ge [sflag:s18], $0x1000  }
0x29: {  	[sflag:s18] =	ssyncset.done $0x0  }
0x2a: {  	[sflag:s18] =	ssyncadd.s32 $0xFFFFF000  }
0x2b: {  	s16 =	simm.s32 $0x0;
	[bflag:$0x0] =	sbarrier.arrive $0xFFFF  }
.LBB2_2:
0x2c: {  	s9 =	sadd.s32 s13, s16  }
0x2d: {  	s9 =	smul.u32 $0x6000, s9;
	_ =	sdelay $0x1  }
0x2e: {  	s9 =	sadd.s32 s14, s9  }
0x2f: {  	s9 =	sshrl.u32 s9, $0x3  }
0x30: {  	s9 =	sadd.s32 s1, s9  }
0x31: {  	[tilespmem:s23], [sflag:$0x2] =	stream.strided.gather [hbm4b:s9+s21], $0xC00, s22, s21, $0x38;
	[tilespmem:$0x1E000] =	vst v63  }
0x32: {  	_ =	swait.ge [sflag:s18], $0xC00  }
0x33: {  	[sflag:s18] =	ssyncset.done $0x0  }
0x34: {  	s17 =	simm.s32 $0x18C00;
	[sflag:s18] =	ssyncadd.s32 $0xFFFFF400  }
0x35: {  	[tilespmem:s17], [sflag:$0x1] =	stream.indirect.gather [spmem:s3], $0x1, s23, s22, $0xb8;
	[tilespmem:$0x1E000] =	vst v63  }
0x36: {  	_ = 	snop  }
0x37: {  	[tilespmem:s24], [sflag:$0x1] =	stream.indirect.gather [spmem:s4], $0x1, s23, s22, $0xb8;
	[tilespmem:$0x1E000] =	vst v63  }
0x38: {  	_ = 	snop  }
0x39: {  	[tilespmem:s25], [sflag:$0x1] =	stream.indirect.gather [spmem:s5], $0x1, s23, s22, $0xb8;
	[tilespmem:$0x1E000] =	vst v63  }
0x3a: {  	_ = 	snop  }
0x3b: {  	[tilespmem:s28], [sflag:$0x1] =	stream.indirect.gather [spmem:s3], $0x1, s26, s22, $0xb8;
	[tilespmem:$0x1E000] =	vst v63  }
0x3c: {  	_ = 	snop  }
0x3d: {  	[tilespmem:s29], [sflag:$0x1] =	stream.indirect.gather [spmem:s4], $0x1, s26, s22, $0xb8;
	[tilespmem:$0x1E000] =	vst v63  }
0x3e: {  	_ = 	snop  }
0x3f: {  	[tilespmem:s30], [sflag:$0x1] =	stream.indirect.gather [spmem:s5], $0x1, s26, s22, $0xb8;
	[tilespmem:$0x1E000] =	vst v63  }
0x40: {  	_ = 	snop  }
0x41: {  	[tilespmem:s0], [sflag:$0x1] =	stream.indirect.gather [spmem:s3], $0x1, s31, s22, $0xb8;
	[tilespmem:$0x1E000] =	vst v63  }
0x42: {  	_ = 	snop  }
0x43: {  	[tilespmem:s7], [sflag:$0x1] =	stream.indirect.gather [spmem:s4], $0x1, s31, s22, $0xb8;
	[tilespmem:$0x1E000] =	vst v63  }
0x44: {  	_ = 	snop  }
0x45: {  	[tilespmem:s8], [sflag:$0x1] =	stream.indirect.gather [spmem:s5], $0x1, s31, s22, $0xb8;
	[tilespmem:$0x1E000] =	vst v63  }
0x46: {  	_ =	swait.ge [sflag:s10], $0x400  }
0x47: {  	[sflag:s10] =	ssyncset.done $0x0  }
0x48: {  	[sflag:s10] =	ssyncadd.s32 $0xFFFFFC00  }
0x49: {  	_ =	swait.ge [sflag:s10], $0x400  }
0x4a: {  	[sflag:s10] =	ssyncset.done $0x0  }
0x4b: {  	[sflag:s10] =	ssyncadd.s32 $0xFFFFFC00  }
0x4c: {  	_ =	swait.ge [sflag:s10], $0x400  }
0x4d: {  	[sflag:s10] =	ssyncset.done $0x0  }
0x4e: {  	[sflag:s10] =	ssyncadd.s32 $0xFFFFFC00  }
0x4f: {  	_ =	swait.ge [sflag:s10], $0x400  }
0x50: {  	[sflag:s10] =	ssyncset.done $0x0  }
0x51: {  	[sflag:s10] =	ssyncadd.s32 $0xFFFFFC00  }
0x52: {  	_ =	swait.ge [sflag:s10], $0x400  }
0x53: {  	[sflag:s10] =	ssyncset.done $0x0  }
0x54: {  	[sflag:s10] =	ssyncadd.s32 $0xFFFFFC00  }
0x55: {  	_ =	swait.ge [sflag:s10], $0x400  }
0x56: {  	[sflag:s10] =	ssyncset.done $0x0  }
0x57: {  	[sflag:s10] =	ssyncadd.s32 $0xFFFFFC00  }
0x58: {  	_ =	swait.ge [sflag:s10], $0x400  }
0x59: {  	[sflag:s10] =	ssyncset.done $0x0  }
0x5a: {  	[sflag:s10] =	ssyncadd.s32 $0xFFFFFC00  }
0x5b: {  	_ =	swait.ge [sflag:s10], $0x400  }
0x5c: {  	[sflag:s10] =	ssyncset.done $0x0  }
0x5d: {  	[sflag:s10] =	ssyncadd.s32 $0xFFFFFC00  }
0x5e: {  	_ =	swait.ge [sflag:s10], $0x400  }
0x5f: {  	[sflag:s10] =	ssyncset.done $0x0  }
0x60: {  	s19 =	simm.s32 $0x0;
	[sflag:s10] =	ssyncadd.s32 $0xFFFFFC00  }
0x61: {  	s20 =	sand.u32 $0x3F0, s19;
	v17 =	vld [tilespmem:s17+$0x0]  }
0x62: {  	v12 =	vld [tilespmem:s20+$0x19C00]  }
0x63: {  	v18 =	vld [tilespmem:s20+$0x19000]  }
0x64: {  	v13 =	vld [tilespmem:s20+$0x19800]  }
0x65: {  	v14 =	vld [tilespmem:s20+$0x1A000]  }
0x66: {  	v19 =	vld [tilespmem:s20+$0x19400];
	_ =	sdelay $0x2  }
0x67: {  	v13 =	vsub.f32 v13, v17;
	v12 =	vsub.f32 v12, v18;
	_ =	sdelay $0x1  }
0x68: {  	v14 =	vsub.f32 v14, v19;
	v15 =	vmul.f32 v13, v13;
	v16 =	vmul.f32 v12, v12;
	_ =	sdelay $0x1  }
0x69: {  	v15 =	vadd.f32 v16, v15;
	v16 =	vmul.f32 v14, v14;
	_ =	sdelay $0x1  }
0x6a: {  	v15 =	vadd.f32 v16, v15;
	_ =	sdelay $0x1  }
0x6b: {  	v16 =	vadd.f32 $1.000000020e-35, v15;
	_ =	sdelay $0x1  }
0x6c: {  	v20 =	vshra.s32 v16, $0x1;
	v16 =	vmul.f32 $5.000000000e-01, v16  }
0x6d: {  	v20 =	vsub.s32 $0x5F3759DF, v20  }
0x6e: {  	v21 =	vmul.f32 v20, v16;
	_ =	sdelay $0x1  }
0x6f: {  	v21 =	vmul.f32 v20, v21;
	_ =	sdelay $0x1  }
0x70: {  	v21 =	vsub.f32 $1.500000000e+00, v21;
	_ =	sdelay $0x1  }
0x71: {  	v20 =	vmul.f32 v20, v21;
	_ =	sdelay $0x1  }
0x72: {  	v21 =	vmul.f32 v20, v16;
	_ =	sdelay $0x1  }
0x73: {  	v21 =	vmul.f32 v21, v20;
	_ =	sdelay $0x1  }
0x74: {  	v21 =	vsub.f32 $1.500000000e+00, v21;
	_ =	sdelay $0x1  }
0x75: {  	v20 =	vmul.f32 v21, v20;
	_ =	sdelay $0x1  }
0x76: {  	v16 =	vmul.f32 v20, v16;
	_ =	sdelay $0x1  }
0x77: {  	v16 =	vmul.f32 v16, v20;
	_ =	sdelay $0x1  }
0x78: {  	v16 =	vsub.f32 $1.500000000e+00, v16;
	_ =	sdelay $0x1  }
0x79: {  	v16 =	vmul.f32 v16, v20;
	_ =	sdelay $0x1  }
0x7a: {  	v15 =	vmul.f32 v16, v15;
	_ =	sdelay $0x1  }
0x7b: {  	v15 =	vadd.f32 $9.999999970e-07, v15;
	_ =	sdelay $0x1  }
0x7c: {  	(erf) = vrcp.f32 v15;
	_ =	sdelay $0x3  }
0x7d: {  	v20 =	vld [tilespmem:s20+$0x1A400]  }
0x7e: {  	v16 =	vld [tilespmem:s20+$0x1AC00]  }
0x7f: {  	v15 =	vld [tilespmem:s20+$0x1A800];
	_ =	sdelay $0x2  }
0x80: {  	v14 =	vadd.f32 $9.999999970e-07, v14;
	v21 =	vpop (erf)  }
0x81: {  	v16 =	vsub.f32 v16, v19;
	v13 =	vmul.f32 v21, v13;
	v12 =	vmul.f32 v21, v12  }
0x82: {  	v20 =	vsub.f32 v20, v17;
	v15 =	vsub.f32 v15, v18;
	v14 =	vmul.f32 v21, v14  }
0x83: {  	v21 =	vmul.f32 v12, v16;
	v16 =	vmul.f32 v13, v16  }
0x84: {  	v22 =	vmul.f32 v14, v15;
	v23 =	vmul.f32 v14, v20  }
0x85: {  	v15 =	vmul.f32 v13, v15  }
0x86: {  	v20 =	vmul.f32 v12, v20;
	v21 =	vsub.f32 v21, v22;
	v16 =	vsub.f32 v23, v16;
	_ =	sdelay $0x1  }
0x87: {  	v15 =	vsub.f32 v15, v20;
	v20 =	vmul.f32 v21, v21;
	v22 =	vmul.f32 v16, v16;
	_ =	sdelay $0x1  }
0x88: {  	v20 =	vadd.f32 v22, v20;
	v22 =	vmul.f32 v15, v15;
	_ =	sdelay $0x1  }
0x89: {  	v20 =	vadd.f32 v20, v22;
	_ =	sdelay $0x1  }
0x8a: {  	v22 =	vadd.f32 $1.000000020e-35, v20;
	_ =	sdelay $0x1  }
0x8b: {  	v23 =	vshra.s32 v22, $0x1;
	v22 =	vmul.f32 $5.000000000e-01, v22  }
0x8c: {  	v23 =	vsub.s32 $0x5F3759DF, v23  }
0x8d: {  	v24 =	vmul.f32 v23, v22;
	_ =	sdelay $0x1  }
0x8e: {  	v24 =	vmul.f32 v23, v24;
	_ =	sdelay $0x1  }
0x8f: {  	v24 =	vsub.f32 $1.500000000e+00, v24;
	_ =	sdelay $0x1  }
0x90: {  	v23 =	vmul.f32 v23, v24;
	_ =	sdelay $0x1  }
0x91: {  	v24 =	vmul.f32 v23, v22;
	_ =	sdelay $0x1  }
0x92: {  	v24 =	vmul.f32 v24, v23;
	_ =	sdelay $0x1  }
0x93: {  	v24 =	vsub.f32 $1.500000000e+00, v24;
	_ =	sdelay $0x1  }
0x94: {  	v23 =	vmul.f32 v24, v23;
	_ =	sdelay $0x1  }
0x95: {  	v22 =	vmul.f32 v23, v22;
	_ =	sdelay $0x1  }
0x96: {  	v22 =	vmul.f32 v22, v23;
	_ =	sdelay $0x1  }
0x97: {  	v22 =	vsub.f32 $1.500000000e+00, v22;
	_ =	sdelay $0x1  }
0x98: {  	v22 =	vmul.f32 v22, v23;
	_ =	sdelay $0x1  }
0x99: {  	v20 =	vmul.f32 v22, v20;
	_ =	sdelay $0x1  }
0x9a: {  	v20 =	vadd.f32 $9.999999970e-07, v20;
	_ =	sdelay $0x1  }
0x9b: {  	(erf) = vrcp.f32 v20;
	_ =	sdelay $0x7  }
0x9c: {  	v16 =	vadd.f32 $9.999999970e-07, v16  }
0x9d: {  	v20 =	vpop (erf)  }
0x9e: {  	v22 =	vmul.f32 v20, v21;
	v16 =	vmul.f32 v20, v16  }
0x9f: {  	v15 =	vmul.f32 v20, v15  }
0xa0: {  	v20 =	vmul.f32 v16, v14;
	v21 =	vmul.f32 v22, v14  }
0xa1: {  	v23 =	vmul.f32 v15, v12;
	v53 =	vmul.f32 v15, v13  }
0xa2: {  	v25 =	vmul.f32 v22, v12  }
0xa3: {  	v26 =	vmul.f32 v16, v13;
	v20 =	vsub.f32 v20, v23;
	v21 =	vsub.f32 v53, v21;
	_ =	sdelay $0x1  }
0xa4: {  	v23 =	vsub.f32 v25, v26;
	v54 =	vmul.f32 v20, v20;
	v55 =	vmul.f32 v21, v21;
	_ =	sdelay $0x1  }
0xa5: {  	v26 =	vmul.f32 v23, v23;
	v24 =	vadd.f32 v55, v54;
	_ =	sdelay $0x1  }
0xa6: {  	v24 =	vadd.f32 v24, v26;
	_ =	sdelay $0x1  }
0xa7: {  	v56 =	vadd.f32 $1.000000020e-35, v24;
	_ =	sdelay $0x1  }
0xa8: {  	v57 =	vshra.s32 v56, $0x1;
	v25 =	vmul.f32 $5.000000000e-01, v56  }
0xa9: {  	v26 =	vsub.s32 $0x5F3759DF, v57  }
0xaa: {  	v27 =	vmul.f32 v26, v25;
	_ =	sdelay $0x1  }
0xab: {  	v27 =	vmul.f32 v26, v27;
	_ =	sdelay $0x1  }
0xac: {  	v27 =	vsub.f32 $1.500000000e+00, v27;
	_ =	sdelay $0x1  }
0xad: {  	v26 =	vmul.f32 v26, v27;
	_ =	sdelay $0x1  }
0xae: {  	v27 =	vmul.f32 v26, v25;
	_ =	sdelay $0x1  }
0xaf: {  	v27 =	vmul.f32 v27, v26;
	_ =	sdelay $0x1  }
0xb0: {  	v27 =	vsub.f32 $1.500000000e+00, v27;
	_ =	sdelay $0x1  }
0xb1: {  	v26 =	vmul.f32 v27, v26;
	_ =	sdelay $0x1  }
0xb2: {  	v25 =	vmul.f32 v26, v25;
	_ =	sdelay $0x1  }
0xb3: {  	v25 =	vmul.f32 v25, v26;
	_ =	sdelay $0x1  }
0xb4: {  	v25 =	vsub.f32 $1.500000000e+00, v25;
	_ =	sdelay $0x1  }
0xb5: {  	v25 =	vmul.f32 v25, v26;
	_ =	sdelay $0x1  }
0xb6: {  	v24 =	vmul.f32 v25, v24;
	_ =	sdelay $0x1  }
0xb7: {  	v24 =	vadd.f32 $9.999999970e-07, v24;
	_ =	sdelay $0x1  }
0xb8: {  	(erf) = vrcp.f32 v24;
	_ =	sdelay $0x3  }
0xb9: {  	v58 =	vadd.s32 s19, v0  }
0xba: {  	v59 =	vadd.s32 s19, v1  }
0xbb: {  	v60 =	vadd.s32 s19, v2  }
0xbc: {  	v61 =	vadd.s32 s19, v3  }
0xbd: {  	v28 =	vadd.s32 s19, v4;
	v20 =	vadd.f32 $9.999999970e-07, v20  }
0xbe: {  	v62 =	vadd.s32 s19, v5;
	[tilespmem:v58+s11+$0x0] =	vst.idx.msk $0xffff, v17;
	v17 =	vpop (erf)  }
0xbf: {  	v63 =	vadd.s32 s19, v6;
	[tilespmem:v59+s11+$0x0] =	vst.idx.msk $0xffff, v18;
	v18 =	vmul.f32 v17, v20  }
0xc0: {  	[tilespmem:v60+s11+$0x0] =	vst.idx.msk $0xffff, v19;
	v19 =	vmul.f32 v17, v21;
	v21 =	vadd.s32 s19, v7  }
0xc1: {  	v20 =	vmul.f32 v17, v23;
	v17 =	vadd.s32 s19, v8;
	[tilespmem:v61+s11+$0x0] =	vst.idx.msk $0xffff, v18  }
0xc2: {  	v18 =	vadd.s32 s19, v9;
	[tilespmem:v28+s11+$0x0] =	vst.idx.msk $0xffff, v19  }
0xc3: {  	v19 =	vadd.s32 s19, v10;
	[tilespmem:v62+s11+$0x0] =	vst.idx.msk $0xffff, v20  }
0xc4: {  	s20 =	simm.s32 $0x10;
	v20 =	vadd.s32 s19, v11;
	[tilespmem:v63+s11+$0x0] =	vst.idx.msk $0xffff, v22  }
.LBB2_3:
0xc5: {  	p0 =	sne.s32 s20, $0x3F0;
	[tilespmem:v21+s11+$0x0] =	vst.idx.msk $0xffff, v16;
	s19 =	sadd.s32 $0xC0, s19;
	s17 =	sadd.s32 $0x10, s17  }
0xc6: {  	s9 =	smov.u32 s20;
	s20 =	sadd.s32 $0x10, s20;
	[tilespmem:v17+s11+$0x0] =	vst.idx.msk $0xffff, v15  }
0xc7: {  	[tilespmem:v18+s11+$0x0] =	vst.idx.msk $0xffff, v13  }
0xc8: {  	[tilespmem:v19+s11+$0x0] =	vst.idx.msk $0xffff, v12  }
0xc9: {  	[tilespmem:v20+s11+$0x0] =	vst.idx.msk $0xffff, v14  }
0xca: {  	s9 =	sand.u32 $0x3F0, s9;
	v14 =	vld [tilespmem:s17+$0x0]  }
0xcb: {  	v12 =	vld [tilespmem:s9+$0x19C00]  }
0xcc: {  	v15 =	vld [tilespmem:s9+$0x19000]  }
0xcd: {  	v13 =	vld [tilespmem:s9+$0x19800]  }
0xce: {  	v16 =	vld [tilespmem:s9+$0x1A000]  }
0xcf: {  	v17 =	vld [tilespmem:s9+$0x19400];
	_ =	sdelay $0x2  }
0xd0: {  	v12 =	vsub.f32 v12, v15;
	v13 =	vsub.f32 v13, v14;
	_ =	sdelay $0x1  }
0xd1: {  	v19 =	vmul.f32 v12, v12;
	v16 =	vsub.f32 v16, v17;
	v18 =	vmul.f32 v13, v13;
	_ =	sdelay $0x1  }
0xd2: {  	v18 =	vadd.f32 v19, v18;
	v19 =	vmul.f32 v16, v16;
	_ =	sdelay $0x1  }
0xd3: {  	v18 =	vadd.f32 v19, v18;
	_ =	sdelay $0x1  }
0xd4: {  	v19 =	vadd.f32 $1.000000020e-35, v18;
	_ =	sdelay $0x1  }
0xd5: {  	v20 =	vshra.s32 v19, $0x1;
	v19 =	vmul.f32 $5.000000000e-01, v19  }
0xd6: {  	v20 =	vsub.s32 $0x5F3759DF, v20  }
0xd7: {  	v21 =	vmul.f32 v20, v19;
	_ =	sdelay $0x1  }
0xd8: {  	v21 =	vmul.f32 v20, v21;
	_ =	sdelay $0x1  }
0xd9: {  	v21 =	vsub.f32 $1.500000000e+00, v21;
	_ =	sdelay $0x1  }
0xda: {  	v20 =	vmul.f32 v20, v21;
	_ =	sdelay $0x1  }
0xdb: {  	v21 =	vmul.f32 v20, v19;
	_ =	sdelay $0x1  }
0xdc: {  	v21 =	vmul.f32 v21, v20;
	_ =	sdelay $0x1  }
0xdd: {  	v21 =	vsub.f32 $1.500000000e+00, v21;
	_ =	sdelay $0x1  }
0xde: {  	v20 =	vmul.f32 v21, v20;
	_ =	sdelay $0x1  }
0xdf: {  	v19 =	vmul.f32 v20, v19;
	_ =	sdelay $0x1  }
0xe0: {  	v19 =	vmul.f32 v19, v20;
	_ =	sdelay $0x1  }
0xe1: {  	v19 =	vsub.f32 $1.500000000e+00, v19;
	_ =	sdelay $0x1  }
0xe2: {  	v19 =	vmul.f32 v19, v20;
	_ =	sdelay $0x1  }
0xe3: {  	v18 =	vmul.f32 v19, v18;
	_ =	sdelay $0x1  }
0xe4: {  	v18 =	vadd.f32 $9.999999970e-07, v18;
	_ =	sdelay $0x1  }
0xe5: {  	(erf) = vrcp.f32 v18;
	_ =	sdelay $0x1  }
0xe6: {  	v18 =	vadd.s32 s19, v0  }
0xe7: {  	v19 =	vadd.s32 s19, v1  }
0xe8: {  	v21 =	vadd.s32 s19, v2;
	v20 =	vld [tilespmem:s9+$0x1A800]  }
0xe9: {  	v22 =	vld [tilespmem:s9+$0x1AC00]  }
0xea: {  	v23 =	vld [tilespmem:s9+$0x1A400]  }
0xeb: {  	[tilespmem:v18+s11+$0x0] =	vst.idx.msk $0xffff, v14  }
0xec: {  	[tilespmem:v19+s11+$0x0] =	vst.idx.msk $0xffff, v15  }
0xed: {  	v16 =	vadd.f32 $9.999999970e-07, v16;
	[tilespmem:v21+s11+$0x0] =	vst.idx.msk $0xffff, v17;
	v18 =	vpop (erf)  }
0xee: {  	v17 =	vsub.f32 v22, v17;
	v13 =	vmul.f32 v18, v13;
	v12 =	vmul.f32 v18, v12  }
0xef: {  	v15 =	vsub.f32 v20, v15;
	v19 =	vsub.f32 v23, v14;
	v14 =	vmul.f32 v18, v16  }
0xf0: {  	v16 =	vmul.f32 v12, v17;
	v17 =	vmul.f32 v13, v17  }
0xf1: {  	v18 =	vmul.f32 v14, v15;
	v20 =	vmul.f32 v14, v19  }
0xf2: {  	v15 =	vmul.f32 v13, v15;
	v19 =	vmul.f32 v12, v19  }
0xf3: {  	v16 =	vsub.f32 v16, v18;
	v17 =	vsub.f32 v20, v17  }
0xf4: {  	v15 =	vsub.f32 v15, v19  }
0xf5: {  	v18 =	vmul.f32 v16, v16;
	v19 =	vmul.f32 v17, v17;
	_ =	sdelay $0x1  }
0xf6: {  	v18 =	vadd.f32 v19, v18;
	v19 =	vmul.f32 v15, v15;
	_ =	sdelay $0x1  }
0xf7: {  	v18 =	vadd.f32 v18, v19;
	_ =	sdelay $0x1  }
0xf8: {  	v19 =	vadd.f32 $1.000000020e-35, v18;
	_ =	sdelay $0x1  }
0xf9: {  	v20 =	vshra.s32 v19, $0x1;
	v19 =	vmul.f32 $5.000000000e-01, v19  }
0xfa: {  	v20 =	vsub.s32 $0x5F3759DF, v20  }
0xfb: {  	v21 =	vmul.f32 v20, v19;
	_ =	sdelay $0x1  }
0xfc: {  	v21 =	vmul.f32 v20, v21;
	_ =	sdelay $0x1  }
0xfd: {  	v21 =	vsub.f32 $1.500000000e+00, v21;
	_ =	sdelay $0x1  }
0xfe: {  	v20 =	vmul.f32 v20, v21;
	_ =	sdelay $0x1  }
0xff: {  	v21 =	vmul.f32 v20, v19;
	_ =	sdelay $0x1  }
0x100: {  	v21 =	vmul.f32 v21, v20;
	_ =	sdelay $0x1  }
0x101: {  	v21 =	vsub.f32 $1.500000000e+00, v21;
	_ =	sdelay $0x1  }
0x102: {  	v20 =	vmul.f32 v21, v20;
	_ =	sdelay $0x1  }
0x103: {  	v19 =	vmul.f32 v20, v19;
	_ =	sdelay $0x1  }
0x104: {  	v19 =	vmul.f32 v19, v20;
	_ =	sdelay $0x1  }
0x105: {  	v19 =	vsub.f32 $1.500000000e+00, v19;
	_ =	sdelay $0x1  }
0x106: {  	v19 =	vmul.f32 v19, v20;
	_ =	sdelay $0x1  }
0x107: {  	v18 =	vmul.f32 v19, v18;
	_ =	sdelay $0x1  }
0x108: {  	v18 =	vadd.f32 $9.999999970e-07, v18;
	_ =	sdelay $0x1  }
0x109: {  	(erf) = vrcp.f32 v18;
	_ =	sdelay $0x7  }
0x10a: {  	v17 =	vadd.f32 $9.999999970e-07, v17  }
0x10b: {  	v18 =	vpop (erf)  }
0x10c: {  	v22 =	vmul.f32 v18, v16;
	v16 =	vmul.f32 v18, v17  }
0x10d: {  	v15 =	vmul.f32 v18, v15  }
0x10e: {  	v17 =	vmul.f32 v16, v14;
	v18 =	vmul.f32 v22, v14  }
0x10f: {  	v19 =	vmul.f32 v15, v12;
	v20 =	vmul.f32 v15, v13  }
0x110: {  	v21 =	vmul.f32 v22, v12;
	v23 =	vmul.f32 v16, v13  }
0x111: {  	v17 =	vsub.f32 v17, v19;
	v18 =	vsub.f32 v20, v18  }
0x112: {  	v19 =	vsub.f32 v21, v23  }
0x113: {  	v20 =	vmul.f32 v17, v17;
	v21 =	vmul.f32 v18, v18  }
0x114: {  	v23 =	vmul.f32 v19, v19  }
0x115: {  	v20 =	vadd.f32 v21, v20;
	_ =	sdelay $0x1  }
0x116: {  	v20 =	vadd.f32 v20, v23;
	_ =	sdelay $0x1  }
0x117: {  	v21 =	vadd.f32 $1.000000020e-35, v20;
	_ =	sdelay $0x1  }
0x118: {  	v23 =	vshra.s32 v21, $0x1;
	v21 =	vmul.f32 $5.000000000e-01, v21  }
0x119: {  	v23 =	vsub.s32 $0x5F3759DF, v23  }
0x11a: {  	v24 =	vmul.f32 v23, v21;
	_ =	sdelay $0x1  }
0x11b: {  	v24 =	vmul.f32 v23, v24;
	_ =	sdelay $0x1  }
0x11c: {  	v24 =	vsub.f32 $1.500000000e+00, v24;
	_ =	sdelay $0x1  }
0x11d: {  	v23 =	vmul.f32 v23, v24;
	_ =	sdelay $0x1  }
0x11e: {  	v24 =	vmul.f32 v23, v21;
	_ =	sdelay $0x1  }
0x11f: {  	v24 =	vmul.f32 v24, v23;
	_ =	sdelay $0x1  }
0x120: {  	v24 =	vsub.f32 $1.500000000e+00, v24;
	_ =	sdelay $0x1  }
0x121: {  	v23 =	vmul.f32 v24, v23;
	_ =	sdelay $0x1  }
0x122: {  	v21 =	vmul.f32 v23, v21;
	_ =	sdelay $0x1  }
0x123: {  	v21 =	vmul.f32 v21, v23;
	_ =	sdelay $0x1  }
0x124: {  	v21 =	vsub.f32 $1.500000000e+00, v21;
	_ =	sdelay $0x1  }
0x125: {  	v21 =	vmul.f32 v21, v23;
	_ =	sdelay $0x1  }
0x126: {  	v20 =	vmul.f32 v21, v20;
	_ =	sdelay $0x1  }
0x127: {  	v20 =	vadd.f32 $9.999999970e-07, v20;
	_ =	sdelay $0x1  }
0x128: {  	(erf) = vrcp.f32 v20;
	_ =	sdelay $0x5  }
0x129: {  	v20 =	vadd.s32 s19, v3  }
0x12a: {  	v17 =	vadd.f32 $9.999999970e-07, v17;
	v23 =	vadd.s32 s19, v4  }
0x12b: {  	v24 =	vadd.s32 s19, v5  }
0x12c: {  	v25 =	vadd.s32 s19, v6;
	v26 =	vpop (erf)  }
0x12d: {  	v21 =	vadd.s32 s19, v7;
	v27 =	vmul.f32 v26, v17;
	v28 =	vmul.f32 v26, v18  }
.Ltmp0:
0x12e: {  	v26 =	vmul.f32 v26, v19;
	v17 =	vadd.s32 s19, v8;
	(pc) =	sbr.rel @p0 .LBB2_3-.Ltmp0, $4  }
0x12f: {  	v18 =	vadd.s32 s19, v9;
	[tilespmem:v20+s11+$0x0] =	vst.idx.msk $0xffff, v27  }
0x130: {  	v19 =	vadd.s32 s19, v10;
	[tilespmem:v23+s11+$0x0] =	vst.idx.msk $0xffff, v28  }
0x131: {  	v20 =	vadd.s32 s19, v11;
	[tilespmem:v24+s11+$0x0] =	vst.idx.msk $0xffff, v26  }
0x132: {  	[tilespmem:v25+s11+$0x0] =	vst.idx.msk $0xffff, v22  }
0x133: {  	_ =	sdelay $0x1  }
0x134: {  	s9 =	sshll.u32 s16, $0xA  }
0x135: {  	s9 =	sadd.s32 s12, s9  }
0x136: {  	[tilespmem:v21+s11+$0x0] =	vst.idx.msk $0xffff, v16;
	s9 =	smul.u32 $0x60, s9  }
0x137: {  	[tilespmem:v17+s11+$0x0] =	vst.idx.msk $0xffff, v15  }
0x138: {  	s16 =	sadd.s32 $0x1, s16;
	[tilespmem:v18+s11+$0x0] =	vst.idx.msk $0xffff, v13;
	s9 =	sadd.s32 s15, s9  }
0x139: {  	p0 =	sne.s32 s16, $0x10;
	[tilespmem:v19+s11+$0x0] =	vst.idx.msk $0xffff, v12;
	s9 =	sshrl.u32 s9, $0x3  }
.Ltmp1:
0x13a: {  	[tilespmem:v20+s11+$0x0] =	vst.idx.msk $0xffff, v14;
	s9 =	sadd.s32 s2, s9;
	(pc) =	sbr.rel @p0 .LBB2_2-.Ltmp1, $4  }
0x13b: {  	[hbm4b:s9+s21] =	stream.strided.scatter [tilespmem:s11], [sflag:$0x2], $0x3000, s22, s21, $0x38;
	[tilespmem:$0x1E000] =	vst v63  }
0x13c: {  	_ =	swait.ge [sflag:s18], $0x3000  }
0x13d: {  	[sflag:s18] =	ssyncset.done $0x0  }
0x13e: {  	[sflag:s18] =	ssyncadd.s32 $0xFFFFD000  }
0x13f: {  	s6 =	sadd.s32 $0x1, s6;
	s9 =	rddreg [dreg:$0xd]  }
0x140: {  	p0 =	sne.s32 s6, s9  }
.Ltmp2:
0x141: {  	_ = 	snop;
	(pc) =	sbr.rel @p0 .LBB2_1-.Ltmp2, $1  }
0x142: {  	_ =	sdelay $0x3  }
0x143: {  	_ =	sfence.sel $0x180000  }
0x144: {  	[bflag:$0x0] =	sbarrier.arrive $0xFFFF  }
0x145: {  	_ =	strace $0x90000047  }
0x146: {  	s0 =	stileid.u32;
	[bflag:$0x2] =	sbarrier.arrive $0xFFFF  }
0x147: {  	p0 =	sne.s32 s0, $0x0;
	s0 =	rddreg [dreg:$0x8]  }
0x148: {  	s0 =	sadd.s32 @!p0 $0x100000, s0  }
0x149: {  	[sflag:s0] =	ssyncadd.tile.s32 @!p0 $0x1;
	_ =	shalt  }
.Lfunc_end2:
_tile_overlayer_lowered:
.L_overlay_start_2:
0x14a: {  	(tag) =	ssettag $0x2  }
0x14b: {  	s0 =	rddreg [dreg:$0x0];
	s2 =	stileid.u32  }
0x14c: {  	s1 =	rddreg [dreg:$0x1];
	p0 =	sne.s32 s2, $0x0  }
0x14d: {  	s3 =	rddreg [dreg:$0x2];
	[bflag:$0x3] =	sbarrier.arrive $0xFFFF;
	s2 =	simm.s32 @!p0 $0x1C02  }
0x14e: {  	[timem:s3], [sflag:s2] =	dma.local @!p0 [hbm:s0], s1  }
0x14f: {  	s0 =	simm.s32 @!p0 $0x2  }
0x150: {  	_ =	swait.ge @!p0 [sflag:s0], s1  }
0x151: {  	s1 =	ssub.s32 @!p0 $0x0, s1;
	[sflag:s0] =	ssyncset.done @!p0 $0x0  }
0x152: {  	[sflag:s0] =	ssyncadd.s32 @!p0 s1  }
0x153: {  	[bflag:$0x3] =	sbarrier.arrive $0xFFFF  }
0x154: {  	_ =	shalt  }

</sc_bundles>
